<compile_context>
chip_gen: v7x
topology: tpu7x:2x2x1
jax: 0.10.2.dev20260603
libtpu: 0.0.44.dev20260713+nightly
codegen_flags: <defaults>
</compile_context>

<pallas_src>
import jax
import jax.numpy as jnp
from jax import lax
from jax.experimental import pallas as pl
from jax.experimental.pallas import tpu as pltpu
from jax.experimental.pallas import tpu_sc as plsc

HIDDIM = 128
N_NODES = 10000
N_EDGES = 320000
N_TUPLES = 320000

NC = 2
NS = 16
NW = NC * NS

CHUNK = 80
NBUF = 6
NA = N_EDGES // NW // CHUNK
NX = NA
NXC = 5
X_WORKERS = N_NODES // (NXC * CHUNK)


def _sc_body(x_hbm, a_hbm, t_hbm, x_table_hbm, ea_table_hbm,
             tuple_table_hbm, x_out, a_out, t_out,
             idx_x, idx_a, idx_t,
             rows0, rows1, rows2, rows3, rows4, rows5,
             xtab_s, etab_s0, etab_s1, ttab_s0, ttab_s1,
             gsem0, gsem1, gsem2, gsem3, gsem4, gsem5,
             ssem0, ssem1, ssem2, ssem3, ssem4, ssem5,
             isem_x, isem_t):
    wid = lax.axis_index("s") * NC + lax.axis_index("c")
    rows = (rows0, rows1, rows2, rows3, rows4, rows5)
    gsems = (gsem0, gsem1, gsem2, gsem3, gsem4, gsem5)
    ssems = (ssem0, ssem1, ssem2, ssem3, ssem4, ssem5)
    etabs = (etab_s0, etab_s1)
    ttabs = (ttab_s0, ttab_s1)
    e_per_w = N_EDGES // NW
    a_base = wid * e_per_w
    x_base = wid * NXC * CHUNK
    carries_x = wid < X_WORKERS

    t_idx_copy = pltpu.make_async_copy(
        t_hbm.at[pl.ds(a_base, e_per_w)], idx_t, isem_t)
    t_idx_copy.start()
    x_idx_copy = pltpu.make_async_copy(
        x_hbm.at[pl.ds(x_base, NXC * CHUNK)], idx_x, isem_x)

    @pl.when(carries_x)
    def _():
        x_idx_copy.start()

    @pl.when(lax.axis_index("s") == 0)
    def _():
        pltpu.sync_copy(x_table_hbm, xtab_s)
        pltpu.sync_copy(ea_table_hbm, etab_s0)
        pltpu.sync_copy(tuple_table_hbm, ttab_s0)

    @pl.when(lax.axis_index("s") == 1)
    def _():
        pltpu.sync_copy(ea_table_hbm, etab_s1)
        pltpu.sync_copy(tuple_table_hbm, ttab_s1)

    pltpu.sync_copy(a_hbm.at[pl.ds(a_base, e_per_w)], idx_a)
    plsc.subcore_barrier()


    def gather_a(j, b, p):
        pltpu.async_copy(
            etabs[p].at[idx_a.at[pl.ds(j * CHUNK, CHUNK)]], rows[b],
            gsems[b])

    def gather_t(j, b, p):
        pltpu.async_copy(
            ttabs[p].at[idx_t.at[pl.ds(j * CHUNK, CHUNK)]], rows[b],
            gsems[b])

    def gather_x(j, b):
        pltpu.async_copy(xtab_s.at[idx_x.at[pl.ds(j * CHUNK, CHUNK)]],
                         rows[b], gsems[b])

    def gather_wait(b):
        pltpu.make_async_copy(a_out.at[pl.ds(0, CHUNK)], rows[b],
                              gsems[b]).wait()

    def scatter_a(j, b):
        pltpu.async_copy(rows[b],
                         a_out.at[pl.ds(a_base + j * CHUNK, CHUNK)],
                         ssems[b])

    def scatter_t(j, b):
        pltpu.async_copy(rows[b],
                         t_out.at[pl.ds(a_base + j * CHUNK, CHUNK)],
                         ssems[b])

    def scatter_x(j, b):
        pltpu.async_copy(rows[b],
                         x_out.at[pl.ds(x_base + j * CHUNK, CHUNK)],
                         ssems[b])

    def scatter_wait(b):
        pltpu.make_async_copy(rows[b], a_out.at[pl.ds(0, CHUNK)],
                              ssems[b]).wait()

    def scatter_any(ci, b):
        @pl.when(ci < NA)
        def _():
            scatter_a(ci, b)

        @pl.when(ci >= NA)
        def _():
            scatter_t(ci - NA, b)

    def gather_any(ci, b, p):
        @pl.when(ci < NA)
        def _():
            gather_a(ci, b, p)

        @pl.when(ci >= NA)
        def _():
            gather_t(ci - NA, b, p)

    gather_a(0, 0, 0)
    gather_a(1, 1, 1)
    gather_a(2, 2, 0)
    t_idx_copy.wait()

    @pl.when(carries_x)
    def _():
        x_idx_copy.wait()

    gather_wait(0)
    scatter_a(0, 0)
    gather_a(3, 3, 1)
    gather_wait(1)
    scatter_a(1, 1)
    gather_a(4, 4, 0)
    gather_wait(2)
    scatter_a(2, 2)
    gather_a(5, 5, 1)

    def body(g, carry):
        for k in range(NBUF):
            ci = 3 + NBUF * g + k
            b = (3 + k) % NBUF
            gather_wait(b)
            scatter_any(ci, b)
            scatter_wait((b + 3) % NBUF)
            gather_any(ci + 3, (b + 3) % NBUF, k & 1)
        return carry

    lax.fori_loop(0, (NA + NX - 10) // NBUF, body, 0, unroll=False)

    gather_wait(3)
    scatter_t(NX - 7, 3)
    scatter_wait(0)
    gather_t(NX - 4, 0, 0)
    gather_wait(4)
    scatter_t(NX - 6, 4)
    scatter_wait(1)
    gather_t(NX - 3, 1, 1)
    gather_wait(5)
    scatter_t(NX - 5, 5)
    scatter_wait(2)
    gather_t(NX - 2, 2, 0)
    gather_wait(0)
    scatter_t(NX - 4, 0)
    scatter_wait(3)
    gather_t(NX - 1, 3, 1)

    gather_wait(1)
    scatter_t(NX - 3, 1)
    scatter_wait(4)

    @pl.when(carries_x)
    def _():
        gather_x(0, 4)

    gather_wait(2)
    scatter_t(NX - 2, 2)
    scatter_wait(5)

    @pl.when(carries_x)
    def _():
        gather_x(1, 5)

    gather_wait(3)
    scatter_t(NX - 1, 3)
    scatter_wait(0)

    @pl.when(carries_x)
    def _():
        gather_x(2, 0)

    @pl.when(carries_x)
    def _():
        gather_wait(4)
        scatter_x(0, 4)
        scatter_wait(1)
        gather_x(3, 1)
        gather_wait(5)
        scatter_x(1, 5)
        scatter_wait(2)
        gather_x(4, 2)
        gather_wait(0)
        scatter_x(2, 0)
        scatter_wait(3)
        gather_wait(1)
        scatter_x(3, 1)
        scatter_wait(4)
        gather_wait(2)
        scatter_x(4, 2)
        scatter_wait(5)
        scatter_wait(0)

    scatter_wait(1)
    scatter_wait(2)

    @pl.when(jnp.logical_not(carries_x))
    def _():
        scatter_wait(3)


@jax.jit
def _encode(x, A_values, X_values, x_table, ea_table, tuple_table):
    mesh = plsc.VectorSubcoreMesh(core_axis_name="c", subcore_axis_name="s")
    run = pl.kernel(
        _sc_body,
        out_type=(
            jax.ShapeDtypeStruct((N_NODES, HIDDIM), jnp.float32),
            jax.ShapeDtypeStruct((N_EDGES, HIDDIM), jnp.float32),
            jax.ShapeDtypeStruct((N_TUPLES, HIDDIM), jnp.float32),
        ),
        mesh=mesh,
        scratch_types=[
            pltpu.VMEM((NXC * CHUNK,), jnp.int32),
            pltpu.VMEM((N_EDGES // NW,), jnp.int32),
            pltpu.VMEM((N_TUPLES // NW,), jnp.int32),
            pltpu.VMEM((CHUNK, HIDDIM), jnp.float32),
            pltpu.VMEM((CHUNK, HIDDIM), jnp.float32),
            pltpu.VMEM((CHUNK, HIDDIM), jnp.float32),
            pltpu.VMEM((CHUNK, HIDDIM), jnp.float32),
            pltpu.VMEM((CHUNK, HIDDIM), jnp.float32),
            pltpu.VMEM((CHUNK, HIDDIM), jnp.float32),
            pltpu.MemorySpace.VMEM_SHARED((32, HIDDIM), jnp.float32),
            pltpu.MemorySpace.VMEM_SHARED((16, HIDDIM), jnp.float32),
            pltpu.MemorySpace.VMEM_SHARED((16, HIDDIM), jnp.float32),
            pltpu.MemorySpace.VMEM_SHARED((16, HIDDIM), jnp.float32),
            pltpu.MemorySpace.VMEM_SHARED((16, HIDDIM), jnp.float32),
            pltpu.SemaphoreType.DMA,
            pltpu.SemaphoreType.DMA,
            pltpu.SemaphoreType.DMA,
            pltpu.SemaphoreType.DMA,
            pltpu.SemaphoreType.DMA,
            pltpu.SemaphoreType.DMA,
            pltpu.SemaphoreType.DMA,
            pltpu.SemaphoreType.DMA,
            pltpu.SemaphoreType.DMA,
            pltpu.SemaphoreType.DMA,
            pltpu.SemaphoreType.DMA,
            pltpu.SemaphoreType.DMA,
            pltpu.SemaphoreType.DMA,
            pltpu.SemaphoreType.DMA,
        ],
    )
    return run(x, A_values, X_values, x_table, ea_table, tuple_table)


def kernel(x, A_values, X_values, x_table, ea_table, tuple_table):
    return _encode(x.astype(jnp.int32).reshape(-1), A_values, X_values,
                   x_table, ea_table, tuple_table)

# --- scband reference (transcript-rebuilt; emitter-appended) ---
"""Pipeline reference for scband-input-encoder-sp-326417515068 (READ-ONLY COPY).

The authoritative reference and input builder live on the scoring server;
editing this copy changes nothing except your own understanding.
"""

import jax, jax.numpy as jnp
import numpy as np

HIDDIM = 128
N_NODES = 10000
N_EDGES = 320000
N_TUPLES = 320000


def setup_inputs(seed: int = 0) -> dict:
    key = jax.random.key(seed)
    k1, k2, k3, k4, k5, k6 = jax.random.split(key, 6)
    x = jax.random.randint(k1, (N_NODES,), 0, 32, dtype=jnp.int64 if jax.config.read('jax_enable_x64') else jnp.int32)
    A_values = jax.random.randint(k2, (N_EDGES,), 0, 16, dtype=jnp.int32)
    X_values = jax.random.randint(k3, (N_TUPLES,), 0, 16, dtype=jnp.int32)
    # learned parameters per init_kwargs: nn.Embedding(32, hiddim), nn.Embedding(16, hiddim) x2
    x_table = jax.random.normal(k4, (32, HIDDIM), dtype=jnp.float32)
    ea_table = jax.random.normal(k5, (16, HIDDIM), dtype=jnp.float32)
    tuple_table = jax.random.normal(k6, (16, HIDDIM), dtype=jnp.float32)
    return {
        'x': x,
        'A_values': A_values,
        'X_values': X_values,
        'x_table': x_table,
        'ea_table': ea_table,
        'tuple_table': tuple_table,
    }


def reference(x, A_values, X_values, x_table, ea_table, tuple_table):
    # datadict['x'] = self.x_encoder(datadict['x'].flatten())
    x_emb = jnp.take(x_table, x.reshape(-1), axis=0)
    # datadict['A'] = datadict['A'].tuplewiseapply(self.ea_encoder)
    # tuplewiseapply applies the embedding to the nonzero (tuple) values of the sparse tensor
    A_emb = jnp.take(ea_table, A_values, axis=0)
    # datadict['X'] = datadict['X'].tuplewiseapply(self.tuplefeat_encoder)
    X_emb = jnp.take(tuple_table, X_values, axis=0)
    return (x_emb, A_emb, X_emb)

if __name__ == "__main__":
    import jax
    _d = setup_inputs()
    print(jax.jit(kernel)(*tuple(_d.values())))

</pallas_src>

<mosaic_0001>
#map = affine_map<(d0, d1) -> (0)>
#map1 = affine_map<(d0, d1) -> (0, 0)>
module attributes {stable_mosaic.version = 14 : i64} {
  func.func @_sc_body(%arg0: i32, %arg1: i32, %arg2: memref<10000xi32, #tpu.memory_space<hbm>>, %arg3: memref<320000xi32, #tpu.memory_space<hbm>>, %arg4: memref<320000xi32, #tpu.memory_space<hbm>>, %arg5: memref<32x128xf32, #tpu.memory_space<hbm>>, %arg6: memref<16x128xf32, #tpu.memory_space<hbm>>, %arg7: memref<16x128xf32, #tpu.memory_space<hbm>>, %arg8: memref<10000x128xf32, #tpu.memory_space<hbm>>, %arg9: memref<320000x128xf32, #tpu.memory_space<hbm>>, %arg10: memref<320000x128xf32, #tpu.memory_space<hbm>>, %arg11: memref<400xi32, #tpu.memory_space<vmem>>, %arg12: memref<10000xi32, #tpu.memory_space<vmem>>, %arg13: memref<10000xi32, #tpu.memory_space<vmem>>, %arg14: memref<80x128xf32, #tpu.memory_space<vmem>>, %arg15: memref<80x128xf32, #tpu.memory_space<vmem>>, %arg16: memref<80x128xf32, #tpu.memory_space<vmem>>, %arg17: memref<80x128xf32, #tpu.memory_space<vmem>>, %arg18: memref<80x128xf32, #tpu.memory_space<vmem>>, %arg19: memref<80x128xf32, #tpu.memory_space<vmem>>, %arg20: memref<32x128xf32, #tpu.memory_space<vmem_shared>>, %arg21: memref<16x128xf32, #tpu.memory_space<vmem_shared>>, %arg22: memref<16x128xf32, #tpu.memory_space<vmem_shared>>, %arg23: memref<16x128xf32, #tpu.memory_space<vmem_shared>>, %arg24: memref<16x128xf32, #tpu.memory_space<vmem_shared>>, %arg25: memref<!tpu.dma_semaphore, #tpu.memory_space<semaphore_mem>>, %arg26: memref<!tpu.dma_semaphore, #tpu.memory_space<semaphore_mem>>, %arg27: memref<!tpu.dma_semaphore, #tpu.memory_space<semaphore_mem>>, %arg28: memref<!tpu.dma_semaphore, #tpu.memory_space<semaphore_mem>>, %arg29: memref<!tpu.dma_semaphore, #tpu.memory_space<semaphore_mem>>, %arg30: memref<!tpu.dma_semaphore, #tpu.memory_space<semaphore_mem>>, %arg31: memref<!tpu.dma_semaphore, #tpu.memory_space<semaphore_mem>>, %arg32: memref<!tpu.dma_semaphore, #tpu.memory_space<semaphore_mem>>, %arg33: memref<!tpu.dma_semaphore, #tpu.memory_space<semaphore_mem>>, %arg34: memref<!tpu.dma_semaphore, #tpu.memory_space<semaphore_mem>>, %arg35: memref<!tpu.dma_semaphore, #tpu.memory_space<semaphore_mem>>, %arg36: memref<!tpu.dma_semaphore, #tpu.memory_space<semaphore_mem>>, %arg37: memref<!tpu.dma_semaphore, #tpu.memory_space<semaphore_mem>>, %arg38: memref<!tpu.dma_semaphore, #tpu.memory_space<semaphore_mem>>) attributes {dimension_semantics = [#tpu.dimension_semantics<core_parallel>, #tpu.dimension_semantics<subcore_parallel>], iteration_bounds = array<i64: 2, 16>, scalar_prefetch = 0 : i64, scratch_operands = 28 : i64, tpu.core_type = #tpu.core_type<sc_vector_subcore>, window_params = [{transform_indices = #map}, {transform_indices = #map}, {transform_indices = #map}, {transform_indices = #map1}, {transform_indices = #map1}, {transform_indices = #map1}, {transform_indices = #map1}, {transform_indices = #map1}, {transform_indices = #map1}]} {
    %mul3A = arith.constant 2 : i32
    %mul3A_0 = arith.muli %arg1, %mul3A : i32
    %add3A = arith.addi %mul3A_0, %arg0 : i32
    %mul3A_1 = arith.constant 10000 : i32
    %mul3A_2 = arith.muli %add3A, %mul3A_1 : i32
    %mul3A_3 = arith.constant 5 : i32
    %mul3A_4 = arith.muli %add3A, %mul3A_3 : i32
    %mul3A_5 = arith.constant 80 : i32
    %mul3A_6 = arith.muli %mul3A_4, %mul3A_5 : i32
    %lt3A = arith.constant 25 : i32
    %lt3A_7 = arith.cmpi slt, %add3A, %lt3A : i32
    %dma_start3A = tpu.memref_slice %arg4[%mul3A_2] : memref<320000xi32, #tpu.memory_space<hbm>> -> memref<10000xi32, #tpu.memory_space<hbm>>
    %dma_start3A_8 = tpu.memref_slice %arg4[%mul3A_2] : memref<320000xi32, #tpu.memory_space<hbm>> -> memref<10000xi32, #tpu.memory_space<hbm>>
    tpu.enqueue_dma source(%dma_start3A_8 : memref<10000xi32, #tpu.memory_space<hbm>>) target(%arg13 : memref<10000xi32, #tpu.memory_space<vmem>>) target_semaphore(%arg38 : memref<!tpu.dma_semaphore, #tpu.memory_space<semaphore_mem>>)
    %convert_element_type3A = arith.extui %lt3A_7 : i1 to i32
    %cond3A = arith.constant 0 : i32
    %cond3A_9 = arith.cmpi ne, %convert_element_type3A, %cond3A : i32
    scf.if %cond3A_9 {
      %dma_start3A_268 = tpu.memref_slice %arg2[%mul3A_6] : memref<10000xi32, #tpu.memory_space<hbm>> -> memref<400xi32, #tpu.memory_space<hbm>>
      %dma_start3A_269 = tpu.memref_slice %arg2[%mul3A_6] : memref<10000xi32, #tpu.memory_space<hbm>> -> memref<400xi32, #tpu.memory_space<hbm>>
      tpu.enqueue_dma source(%dma_start3A_269 : memref<400xi32, #tpu.memory_space<hbm>>) target(%arg11 : memref<400xi32, #tpu.memory_space<vmem>>) target_semaphore(%arg37 : memref<!tpu.dma_semaphore, #tpu.memory_space<semaphore_mem>>)
    } else {
    }
    %eq3A = arith.constant 0 : i32
    %eq3A_10 = arith.cmpi eq, %arg1, %eq3A : i32
    %convert_element_type3A_11 = arith.extui %eq3A_10 : i1 to i32
    %cond3A_12 = arith.constant 0 : i32
    %cond3A_13 = arith.cmpi ne, %convert_element_type3A_11, %cond3A_12 : i32
    scf.if %cond3A_13 {
      "tpu.region"() ({
        %run_scoped3A = tpu.sem_alloc : memref<!tpu.dma_semaphore, #tpu.memory_space<semaphore_mem>>
        tpu.enqueue_dma source(%arg5 : memref<32x128xf32, #tpu.memory_space<hbm>>) target(%arg20 : memref<32x128xf32, #tpu.memory_space<vmem_shared>>) target_semaphore(%run_scoped3A : memref<!tpu.dma_semaphore, #tpu.memory_space<semaphore_mem>>)
        tpu.wait_dma2 semaphore(%run_scoped3A : memref<!tpu.dma_semaphore, #tpu.memory_space<semaphore_mem>>) src(%arg5 : memref<32x128xf32, #tpu.memory_space<hbm>>) dst(%arg20 : memref<32x128xf32, #tpu.memory_space<vmem_shared>>)
        tpu.yield
      }) : () -> ()
      "tpu.region"() ({
        %run_scoped3A = tpu.sem_alloc : memref<!tpu.dma_semaphore, #tpu.memory_space<semaphore_mem>>
        tpu.enqueue_dma source(%arg6 : memref<16x128xf32, #tpu.memory_space<hbm>>) target(%arg21 : memref<16x128xf32, #tpu.memory_space<vmem_shared>>) target_semaphore(%run_scoped3A : memref<!tpu.dma_semaphore, #tpu.memory_space<semaphore_mem>>)
        tpu.wait_dma2 semaphore(%run_scoped3A : memref<!tpu.dma_semaphore, #tpu.memory_space<semaphore_mem>>) src(%arg6 : memref<16x128xf32, #tpu.memory_space<hbm>>) dst(%arg21 : memref<16x128xf32, #tpu.memory_space<vmem_shared>>)
        tpu.yield
      }) : () -> ()
      "tpu.region"() ({
        %run_scoped3A = tpu.sem_alloc : memref<!tpu.dma_semaphore, #tpu.memory_space<semaphore_mem>>
        tpu.enqueue_dma source(%arg7 : memref<16x128xf32, #tpu.memory_space<hbm>>) target(%arg23 : memref<16x128xf32, #tpu.memory_space<vmem_shared>>) target_semaphore(%run_scoped3A : memref<!tpu.dma_semaphore, #tpu.memory_space<semaphore_mem>>)
        tpu.wait_dma2 semaphore(%run_scoped3A : memref<!tpu.dma_semaphore, #tpu.memory_space<semaphore_mem>>) src(%arg7 : memref<16x128xf32, #tpu.memory_space<hbm>>) dst(%arg23 : memref<16x128xf32, #tpu.memory_space<vmem_shared>>)
        tpu.yield
      }) : () -> ()
    } else {
    }
    %eq3A_14 = arith.constant 1 : i32
    %eq3A_15 = arith.cmpi eq, %arg1, %eq3A_14 : i32
    %convert_element_type3A_16 = arith.extui %eq3A_15 : i1 to i32
    %cond3A_17 = arith.constant 0 : i32
    %cond3A_18 = arith.cmpi ne, %convert_element_type3A_16, %cond3A_17 : i32
    scf.if %cond3A_18 {
      "tpu.region"() ({
        %run_scoped3A = tpu.sem_alloc : memref<!tpu.dma_semaphore, #tpu.memory_space<semaphore_mem>>
        tpu.enqueue_dma source(%arg6 : memref<16x128xf32, #tpu.memory_space<hbm>>) target(%arg22 : memref<16x128xf32, #tpu.memory_space<vmem_shared>>) target_semaphore(%run_scoped3A : memref<!tpu.dma_semaphore, #tpu.memory_space<semaphore_mem>>)
        tpu.wait_dma2 semaphore(%run_scoped3A : memref<!tpu.dma_semaphore, #tpu.memory_space<semaphore_mem>>) src(%arg6 : memref<16x128xf32, #tpu.memory_space<hbm>>) dst(%arg22 : memref<16x128xf32, #tpu.memory_space<vmem_shared>>)
        tpu.yield
      }) : () -> ()
      "tpu.region"() ({
        %run_scoped3A = tpu.sem_alloc : memref<!tpu.dma_semaphore, #tpu.memory_space<semaphore_mem>>
        tpu.enqueue_dma source(%arg7 : memref<16x128xf32, #tpu.memory_space<hbm>>) target(%arg24 : memref<16x128xf32, #tpu.memory_space<vmem_shared>>) target_semaphore(%run_scoped3A : memref<!tpu.dma_semaphore, #tpu.memory_space<semaphore_mem>>)
        tpu.wait_dma2 semaphore(%run_scoped3A : memref<!tpu.dma_semaphore, #tpu.memory_space<semaphore_mem>>) src(%arg7 : memref<16x128xf32, #tpu.memory_space<hbm>>) dst(%arg24 : memref<16x128xf32, #tpu.memory_space<vmem_shared>>)
        tpu.yield
      }) : () -> ()
    } else {
    }
    "tpu.region"() ({
      %run_scoped3A = tpu.sem_alloc : memref<!tpu.dma_semaphore, #tpu.memory_space<semaphore_mem>>
      %dma_start3A_268 = tpu.memref_slice %arg3[%mul3A_2] : memref<320000xi32, #tpu.memory_space<hbm>> -> memref<10000xi32, #tpu.memory_space<hbm>>
      %dma_start3A_269 = tpu.memref_slice %arg3[%mul3A_2] : memref<320000xi32, #tpu.memory_space<hbm>> -> memref<10000xi32, #tpu.memory_space<hbm>>
      tpu.enqueue_dma source(%dma_start3A_269 : memref<10000xi32, #tpu.memory_space<hbm>>) target(%arg12 : memref<10000xi32, #tpu.memory_space<vmem>>) target_semaphore(%run_scoped3A : memref<!tpu.dma_semaphore, #tpu.memory_space<semaphore_mem>>)
      %dma_wait3A_270 = tpu.memref_slice %arg3[%mul3A_2] : memref<320000xi32, #tpu.memory_space<hbm>> -> memref<10000xi32, #tpu.memory_space<hbm>>
      %dma_wait3A_271 = tpu.memref_slice %arg3[%mul3A_2] : memref<320000xi32, #tpu.memory_space<hbm>> -> memref<10000xi32, #tpu.memory_space<hbm>>
      tpu.wait_dma2 semaphore(%run_scoped3A : memref<!tpu.dma_semaphore, #tpu.memory_space<semaphore_mem>>) src(%dma_wait3A_271 : memref<10000xi32, #tpu.memory_space<hbm>>) dst(%arg12 : memref<10000xi32, #tpu.memory_space<vmem>>)
      tpu.yield
    }) : () -> ()
    %barrier3A = arith.constant 0 : index
    tpu.barrier barrier_id(%barrier3A)
    %dma_start3A_19 = arith.constant 0 : i32
    %dma_start3A_20 = tpu.memref_slice %arg12[%dma_start3A_19] : memref<10000xi32, #tpu.memory_space<vmem>> -> memref<80xi32, #tpu.memory_space<vmem>>
    %dma_start3A_21 = arith.constant 0 : i32
    %dma_start3A_22 = arith.constant 0 : i32
    %dma_start3A_23 = tpu.memref_slice %arg21[%dma_start3A_21, %dma_start3A_22] : memref<16x128xf32, #tpu.memory_space<vmem_shared>> -> memref<16x128xf32, #tpu.memory_space<vmem_shared>>
    tpu.enqueue_indirect_dma source(%dma_start3A_23 : memref<16x128xf32, #tpu.memory_space<vmem_shared>>) target(%arg14 : memref<80x128xf32, #tpu.memory_space<vmem>>) offsets(%dma_start3A_20 : memref<80xi32, #tpu.memory_space<vmem>>) semaphore(%arg25 : memref<!tpu.dma_semaphore, #tpu.memory_space<semaphore_mem>>)
    %dma_start3A_24 = arith.constant 80 : i32
    %dma_start3A_25 = tpu.memref_slice %arg12[%dma_start3A_24] : memref<10000xi32, #tpu.memory_space<vmem>> -> memref<80xi32, #tpu.memory_space<vmem>>
    %dma_start3A_26 = arith.constant 0 : i32
    %dma_start3A_27 = arith.constant 0 : i32
    %dma_start3A_28 = tpu.memref_slice %arg22[%dma_start3A_26, %dma_start3A_27] : memref<16x128xf32, #tpu.memory_space<vmem_shared>> -> memref<16x128xf32, #tpu.memory_space<vmem_shared>>
    tpu.enqueue_indirect_dma source(%dma_start3A_28 : memref<16x128xf32, #tpu.memory_space<vmem_shared>>) target(%arg15 : memref<80x128xf32, #tpu.memory_space<vmem>>) offsets(%dma_start3A_25 : memref<80xi32, #tpu.memory_space<vmem>>) semaphore(%arg26 : memref<!tpu.dma_semaphore, #tpu.memory_space<semaphore_mem>>)
    %dma_start3A_29 = arith.constant 160 : i32
    %dma_start3A_30 = tpu.memref_slice %arg12[%dma_start3A_29] : memref<10000xi32, #tpu.memory_space<vmem>> -> memref<80xi32, #tpu.memory_space<vmem>>
    %dma_start3A_31 = arith.constant 0 : i32
    %dma_start3A_32 = arith.constant 0 : i32
    %dma_start3A_33 = tpu.memref_slice %arg21[%dma_start3A_31, %dma_start3A_32] : memref<16x128xf32, #tpu.memory_space<vmem_shared>> -> memref<16x128xf32, #tpu.memory_space<vmem_shared>>
    tpu.enqueue_indirect_dma source(%dma_start3A_33 : memref<16x128xf32, #tpu.memory_space<vmem_shared>>) target(%arg16 : memref<80x128xf32, #tpu.memory_space<vmem>>) offsets(%dma_start3A_30 : memref<80xi32, #tpu.memory_space<vmem>>) semaphore(%arg27 : memref<!tpu.dma_semaphore, #tpu.memory_space<semaphore_mem>>)
    %dma_wait3A = tpu.memref_slice %arg4[%mul3A_2] : memref<320000xi32, #tpu.memory_space<hbm>> -> memref<10000xi32, #tpu.memory_space<hbm>>
    %dma_wait3A_34 = tpu.memref_slice %arg4[%mul3A_2] : memref<320000xi32, #tpu.memory_space<hbm>> -> memref<10000xi32, #tpu.memory_space<hbm>>
    tpu.wait_dma2 semaphore(%arg38 : memref<!tpu.dma_semaphore, #tpu.memory_space<semaphore_mem>>) src(%dma_wait3A_34 : memref<10000xi32, #tpu.memory_space<hbm>>) dst(%arg13 : memref<10000xi32, #tpu.memory_space<vmem>>)
    %convert_element_type3A_35 = arith.extui %lt3A_7 : i1 to i32
    %cond3A_36 = arith.constant 0 : i32
    %cond3A_37 = arith.cmpi ne, %convert_element_type3A_35, %cond3A_36 : i32
    scf.if %cond3A_37 {
      %dma_wait3A_268 = tpu.memref_slice %arg2[%mul3A_6] : memref<10000xi32, #tpu.memory_space<hbm>> -> memref<400xi32, #tpu.memory_space<hbm>>
      %dma_wait3A_269 = tpu.memref_slice %arg2[%mul3A_6] : memref<10000xi32, #tpu.memory_space<hbm>> -> memref<400xi32, #tpu.memory_space<hbm>>
      tpu.wait_dma2 semaphore(%arg37 : memref<!tpu.dma_semaphore, #tpu.memory_space<semaphore_mem>>) src(%dma_wait3A_269 : memref<400xi32, #tpu.memory_space<hbm>>) dst(%arg11 : memref<400xi32, #tpu.memory_space<vmem>>)
    } else {
    }
    %dma_wait3A_38 = arith.constant 0 : i32
    %dma_wait3A_39 = arith.constant 0 : i32
    %dma_wait3A_40 = tpu.memref_slice %arg9[%dma_wait3A_38, %dma_wait3A_39] : memref<320000x128xf32, #tpu.memory_space<hbm>> -> memref<80x128xf32, #tpu.memory_space<hbm>>
    %dma_wait3A_41 = arith.constant 0 : i32
    %dma_wait3A_42 = arith.constant 0 : i32
    %dma_wait3A_43 = tpu.memref_slice %arg9[%dma_wait3A_41, %dma_wait3A_42] : memref<320000x128xf32, #tpu.memory_space<hbm>> -> memref<80x128xf32, #tpu.memory_space<hbm>>
    tpu.wait_dma2 semaphore(%arg25 : memref<!tpu.dma_semaphore, #tpu.memory_space<semaphore_mem>>) src(%dma_wait3A_43 : memref<80x128xf32, #tpu.memory_space<hbm>>) dst(%arg14 : memref<80x128xf32, #tpu.memory_space<vmem>>)
    %add3A_44 = arith.constant 0 : i32
    %add3A_45 = arith.addi %mul3A_2, %add3A_44 : i32
    %dma_start3A_46 = arith.constant 0 : i32
    %dma_start3A_47 = tpu.memref_slice %arg9[%add3A_45, %dma_start3A_46] : memref<320000x128xf32, #tpu.memory_space<hbm>> -> memref<80x128xf32, #tpu.memory_space<hbm>>
    %dma_start3A_48 = arith.constant 0 : i32
    %dma_start3A_49 = tpu.memref_slice %arg9[%add3A_45, %dma_start3A_48] : memref<320000x128xf32, #tpu.memory_space<hbm>> -> memref<80x128xf32, #tpu.memory_space<hbm>>
    tpu.enqueue_dma source(%arg14 : memref<80x128xf32, #tpu.memory_space<vmem>>) target(%dma_start3A_49 : memref<80x128xf32, #tpu.memory_space<hbm>>) target_semaphore(%arg31 : memref<!tpu.dma_semaphore, #tpu.memory_space<semaphore_mem>>)
    %dma_start3A_50 = arith.constant 240 : i32
    %dma_start3A_51 = tpu.memref_slice %arg12[%dma_start3A_50] : memref<10000xi32, #tpu.memory_space<vmem>> -> memref<80xi32, #tpu.memory_space<vmem>>
    %dma_start3A_52 = arith.constant 0 : i32
    %dma_start3A_53 = arith.constant 0 : i32
    %dma_start3A_54 = tpu.memref_slice %arg22[%dma_start3A_52, %dma_start3A_53] : memref<16x128xf32, #tpu.memory_space<vmem_shared>> -> memref<16x128xf32, #tpu.memory_space<vmem_shared>>
    tpu.enqueue_indirect_dma source(%dma_start3A_54 : memref<16x128xf32, #tpu.memory_space<vmem_shared>>) target(%arg17 : memref<80x128xf32, #tpu.memory_space<vmem>>) offsets(%dma_start3A_51 : memref<80xi32, #tpu.memory_space<vmem>>) semaphore(%arg28 : memref<!tpu.dma_semaphore, #tpu.memory_space<semaphore_mem>>)
    %dma_wait3A_55 = arith.constant 0 : i32
    %dma_wait3A_56 = arith.constant 0 : i32
    %dma_wait3A_57 = tpu.memref_slice %arg9[%dma_wait3A_55, %dma_wait3A_56] : memref<320000x128xf32, #tpu.memory_space<hbm>> -> memref<80x128xf32, #tpu.memory_space<hbm>>
    %dma_wait3A_58 = arith.constant 0 : i32
    %dma_wait3A_59 = arith.constant 0 : i32
    %dma_wait3A_60 = tpu.memref_slice %arg9[%dma_wait3A_58, %dma_wait3A_59] : memref<320000x128xf32, #tpu.memory_space<hbm>> -> memref<80x128xf32, #tpu.memory_space<hbm>>
    tpu.wait_dma2 semaphore(%arg26 : memref<!tpu.dma_semaphore, #tpu.memory_space<semaphore_mem>>) src(%dma_wait3A_60 : memref<80x128xf32, #tpu.memory_space<hbm>>) dst(%arg15 : memref<80x128xf32, #tpu.memory_space<vmem>>)
    %add3A_61 = arith.constant 80 : i32
    %add3A_62 = arith.addi %mul3A_2, %add3A_61 : i32
    %dma_start3A_63 = arith.constant 0 : i32
    %dma_start3A_64 = tpu.memref_slice %arg9[%add3A_62, %dma_start3A_63] : memref<320000x128xf32, #tpu.memory_space<hbm>> -> memref<80x128xf32, #tpu.memory_space<hbm>>
    %dma_start3A_65 = arith.constant 0 : i32
    %dma_start3A_66 = tpu.memref_slice %arg9[%add3A_62, %dma_start3A_65] : memref<320000x128xf32, #tpu.memory_space<hbm>> -> memref<80x128xf32, #tpu.memory_space<hbm>>
    tpu.enqueue_dma source(%arg15 : memref<80x128xf32, #tpu.memory_space<vmem>>) target(%dma_start3A_66 : memref<80x128xf32, #tpu.memory_space<hbm>>) target_semaphore(%arg32 : memref<!tpu.dma_semaphore, #tpu.memory_space<semaphore_mem>>)
    %dma_start3A_67 = arith.constant 320 : i32
    %dma_start3A_68 = tpu.memref_slice %arg12[%dma_start3A_67] : memref<10000xi32, #tpu.memory_space<vmem>> -> memref<80xi32, #tpu.memory_space<vmem>>
    %dma_start3A_69 = arith.constant 0 : i32
    %dma_start3A_70 = arith.constant 0 : i32
    %dma_start3A_71 = tpu.memref_slice %arg21[%dma_start3A_69, %dma_start3A_70] : memref<16x128xf32, #tpu.memory_space<vmem_shared>> -> memref<16x128xf32, #tpu.memory_space<vmem_shared>>
    tpu.enqueue_indirect_dma source(%dma_start3A_71 : memref<16x128xf32, #tpu.memory_space<vmem_shared>>) target(%arg18 : memref<80x128xf32, #tpu.memory_space<vmem>>) offsets(%dma_start3A_68 : memref<80xi32, #tpu.memory_space<vmem>>) semaphore(%arg29 : memref<!tpu.dma_semaphore, #tpu.memory_space<semaphore_mem>>)
    %dma_wait3A_72 = arith.constant 0 : i32
    %dma_wait3A_73 = arith.constant 0 : i32
    %dma_wait3A_74 = tpu.memref_slice %arg9[%dma_wait3A_72, %dma_wait3A_73] : memref<320000x128xf32, #tpu.memory_space<hbm>> -> memref<80x128xf32, #tpu.memory_space<hbm>>
    %dma_wait3A_75 = arith.constant 0 : i32
    %dma_wait3A_76 = arith.constant 0 : i32
    %dma_wait3A_77 = tpu.memref_slice %arg9[%dma_wait3A_75, %dma_wait3A_76] : memref<320000x128xf32, #tpu.memory_space<hbm>> -> memref<80x128xf32, #tpu.memory_space<hbm>>
    tpu.wait_dma2 semaphore(%arg27 : memref<!tpu.dma_semaphore, #tpu.memory_space<semaphore_mem>>) src(%dma_wait3A_77 : memref<80x128xf32, #tpu.memory_space<hbm>>) dst(%arg16 : memref<80x128xf32, #tpu.memory_space<vmem>>)
    %add3A_78 = arith.constant 160 : i32
    %add3A_79 = arith.addi %mul3A_2, %add3A_78 : i32
    %dma_start3A_80 = arith.constant 0 : i32
    %dma_start3A_81 = tpu.memref_slice %arg9[%add3A_79, %dma_start3A_80] : memref<320000x128xf32, #tpu.memory_space<hbm>> -> memref<80x128xf32, #tpu.memory_space<hbm>>
    %dma_start3A_82 = arith.constant 0 : i32
    %dma_start3A_83 = tpu.memref_slice %arg9[%add3A_79, %dma_start3A_82] : memref<320000x128xf32, #tpu.memory_space<hbm>> -> memref<80x128xf32, #tpu.memory_space<hbm>>
    tpu.enqueue_dma source(%arg16 : memref<80x128xf32, #tpu.memory_space<vmem>>) target(%dma_start3A_83 : memref<80x128xf32, #tpu.memory_space<hbm>>) target_semaphore(%arg33 : memref<!tpu.dma_semaphore, #tpu.memory_space<semaphore_mem>>)
    %dma_start3A_84 = arith.constant 400 : i32
    %dma_start3A_85 = tpu.memref_slice %arg12[%dma_start3A_84] : memref<10000xi32, #tpu.memory_space<vmem>> -> memref<80xi32, #tpu.memory_space<vmem>>
    %dma_start3A_86 = arith.constant 0 : i32
    %dma_start3A_87 = arith.constant 0 : i32
    %dma_start3A_88 = tpu.memref_slice %arg22[%dma_start3A_86, %dma_start3A_87] : memref<16x128xf32, #tpu.memory_space<vmem_shared>> -> memref<16x128xf32, #tpu.memory_space<vmem_shared>>
    tpu.enqueue_indirect_dma source(%dma_start3A_88 : memref<16x128xf32, #tpu.memory_space<vmem_shared>>) target(%arg19 : memref<80x128xf32, #tpu.memory_space<vmem>>) offsets(%dma_start3A_85 : memref<80xi32, #tpu.memory_space<vmem>>) semaphore(%arg30 : memref<!tpu.dma_semaphore, #tpu.memory_space<semaphore_mem>>)
    %scan3A = arith.constant 0 : i32
    %scan3A_89 = arith.constant 0 : i32
    %scan3A_90 = arith.constant 40 : i32
    %scan3A_91 = arith.addi %scan3A_89, %scan3A_90 : i32
    %scan3A_92 = arith.constant 1 : i32
    scf.for %scan3A_268 = %scan3A_89 to %scan3A_91 step %scan3A_92  : i32 {
      %mul3A_269 = arith.constant 6 : i32
      %mul3A_270 = arith.muli %mul3A_269, %scan3A_268 : i32
      %add3A_271 = arith.constant 3 : i32
      %add3A_272 = arith.addi %add3A_271, %mul3A_270 : i32
      %add3A_273 = arith.constant 0 : i32
      %add3A_274 = arith.addi %add3A_272, %add3A_273 : i32
      %dma_wait3A_275 = arith.constant 0 : i32
      %dma_wait3A_276 = arith.constant 0 : i32
      %dma_wait3A_277 = tpu.memref_slice %arg9[%dma_wait3A_275, %dma_wait3A_276] : memref<320000x128xf32, #tpu.memory_space<hbm>> -> memref<80x128xf32, #tpu.memory_space<hbm>>
      %dma_wait3A_278 = arith.constant 0 : i32
      %dma_wait3A_279 = arith.constant 0 : i32
      %dma_wait3A_280 = tpu.memref_slice %arg9[%dma_wait3A_278, %dma_wait3A_279] : memref<320000x128xf32, #tpu.memory_space<hbm>> -> memref<80x128xf32, #tpu.memory_space<hbm>>
      tpu.wait_dma2 semaphore(%arg28 : memref<!tpu.dma_semaphore, #tpu.memory_space<semaphore_mem>>) src(%dma_wait3A_280 : memref<80x128xf32, #tpu.memory_space<hbm>>) dst(%arg17 : memref<80x128xf32, #tpu.memory_space<vmem>>)
      %lt3A_281 = arith.constant 125 : i32
      %lt3A_282 = arith.cmpi slt, %add3A_274, %lt3A_281 : i32
      %convert_element_type3A_283 = arith.extui %lt3A_282 : i1 to i32
      %cond3A_284 = arith.constant 0 : i32
      %cond3A_285 = arith.cmpi ne, %convert_element_type3A_283, %cond3A_284 : i32
      scf.if %cond3A_285 {
        %mul3A_508 = arith.constant 80 : i32
        %mul3A_509 = arith.muli %add3A_274, %mul3A_508 : i32
        %add3A_510 = arith.addi %mul3A_2, %mul3A_509 : i32
        %dma_start3A_511 = arith.constant 0 : i32
        %dma_start3A_512 = tpu.memref_slice %arg9[%add3A_510, %dma_start3A_511] : memref<320000x128xf32, #tpu.memory_space<hbm>> -> memref<80x128xf32, #tpu.memory_space<hbm>>
        %dma_start3A_513 = arith.constant 0 : i32
        %dma_start3A_514 = tpu.memref_slice %arg9[%add3A_510, %dma_start3A_513] : memref<320000x128xf32, #tpu.memory_space<hbm>> -> memref<80x128xf32, #tpu.memory_space<hbm>>
        tpu.enqueue_dma source(%arg17 : memref<80x128xf32, #tpu.memory_space<vmem>>) target(%dma_start3A_514 : memref<80x128xf32, #tpu.memory_space<hbm>>) target_semaphore(%arg34 : memref<!tpu.dma_semaphore, #tpu.memory_space<semaphore_mem>>)
      } else {
      }
      %ge3A = arith.constant 125 : i32
      %ge3A_286 = arith.cmpi sge, %add3A_274, %ge3A : i32
      %convert_element_type3A_287 = arith.extui %ge3A_286 : i1 to i32
      %cond3A_288 = arith.constant 0 : i32
      %cond3A_289 = arith.cmpi ne, %convert_element_type3A_287, %cond3A_288 : i32
      scf.if %cond3A_289 {
        %sub3A = arith.constant 125 : i32
        %sub3A_508 = arith.subi %add3A_274, %sub3A : i32
        %mul3A_509 = arith.constant 80 : i32
        %mul3A_510 = arith.muli %sub3A_508, %mul3A_509 : i32
        %add3A_511 = arith.addi %mul3A_2, %mul3A_510 : i32
        %dma_start3A_512 = arith.constant 0 : i32
        %dma_start3A_513 = tpu.memref_slice %arg10[%add3A_511, %dma_start3A_512] : memref<320000x128xf32, #tpu.memory_space<hbm>> -> memref<80x128xf32, #tpu.memory_space<hbm>>
        %dma_start3A_514 = arith.constant 0 : i32
        %dma_start3A_515 = tpu.memref_slice %arg10[%add3A_511, %dma_start3A_514] : memref<320000x128xf32, #tpu.memory_space<hbm>> -> memref<80x128xf32, #tpu.memory_space<hbm>>
        tpu.enqueue_dma source(%arg17 : memref<80x128xf32, #tpu.memory_space<vmem>>) target(%dma_start3A_515 : memref<80x128xf32, #tpu.memory_space<hbm>>) target_semaphore(%arg34 : memref<!tpu.dma_semaphore, #tpu.memory_space<semaphore_mem>>)
      } else {
      }
      %dma_wait3A_290 = arith.constant 0 : i32
      %dma_wait3A_291 = arith.constant 0 : i32
      %dma_wait3A_292 = tpu.memref_slice %arg9[%dma_wait3A_290, %dma_wait3A_291] : memref<320000x128xf32, #tpu.memory_space<hbm>> -> memref<80x128xf32, #tpu.memory_space<hbm>>
      %dma_wait3A_293 = arith.constant 0 : i32
      %dma_wait3A_294 = arith.constant 0 : i32
      %dma_wait3A_295 = tpu.memref_slice %arg9[%dma_wait3A_293, %dma_wait3A_294] : memref<320000x128xf32, #tpu.memory_space<hbm>> -> memref<80x128xf32, #tpu.memory_space<hbm>>
      tpu.wait_dma2 semaphore(%arg31 : memref<!tpu.dma_semaphore, #tpu.memory_space<semaphore_mem>>) src(%arg14 : memref<80x128xf32, #tpu.memory_space<vmem>>) dst(%dma_wait3A_295 : memref<80x128xf32, #tpu.memory_space<hbm>>)
      %add3A_296 = arith.constant 3 : i32
      %add3A_297 = arith.addi %add3A_274, %add3A_296 : i32
      %lt3A_298 = arith.constant 125 : i32
      %lt3A_299 = arith.cmpi slt, %add3A_297, %lt3A_298 : i32
      %convert_element_type3A_300 = arith.extui %lt3A_299 : i1 to i32
      %cond3A_301 = arith.constant 0 : i32
      %cond3A_302 = arith.cmpi ne, %convert_element_type3A_300, %cond3A_301 : i32
      scf.if %cond3A_302 {
        %mul3A_508 = arith.constant 80 : i32
        %mul3A_509 = arith.muli %add3A_297, %mul3A_508 : i32
        %dma_start3A_510 = tpu.memref_slice %arg12[%mul3A_509] : memref<10000xi32, #tpu.memory_space<vmem>> -> memref<80xi32, #tpu.memory_space<vmem>>
        %dma_start3A_511 = arith.constant 0 : i32
        %dma_start3A_512 = arith.constant 0 : i32
        %dma_start3A_513 = tpu.memref_slice %arg21[%dma_start3A_511, %dma_start3A_512] : memref<16x128xf32, #tpu.memory_space<vmem_shared>> -> memref<16x128xf32, #tpu.memory_space<vmem_shared>>
        tpu.enqueue_indirect_dma source(%dma_start3A_513 : memref<16x128xf32, #tpu.memory_space<vmem_shared>>) target(%arg14 : memref<80x128xf32, #tpu.memory_space<vmem>>) offsets(%dma_start3A_510 : memref<80xi32, #tpu.memory_space<vmem>>) semaphore(%arg25 : memref<!tpu.dma_semaphore, #tpu.memory_space<semaphore_mem>>)
      } else {
      }
      %ge3A_303 = arith.constant 125 : i32
      %ge3A_304 = arith.cmpi sge, %add3A_297, %ge3A_303 : i32
      %convert_element_type3A_305 = arith.extui %ge3A_304 : i1 to i32
      %cond3A_306 = arith.constant 0 : i32
      %cond3A_307 = arith.cmpi ne, %convert_element_type3A_305, %cond3A_306 : i32
      scf.if %cond3A_307 {
        %sub3A = arith.constant 125 : i32
        %sub3A_508 = arith.subi %add3A_297, %sub3A : i32
        %mul3A_509 = arith.constant 80 : i32
        %mul3A_510 = arith.muli %sub3A_508, %mul3A_509 : i32
        %dma_start3A_511 = tpu.memref_slice %arg13[%mul3A_510] : memref<10000xi32, #tpu.memory_space<vmem>> -> memref<80xi32, #tpu.memory_space<vmem>>
        %dma_start3A_512 = arith.constant 0 : i32
        %dma_start3A_513 = arith.constant 0 : i32
        %dma_start3A_514 = tpu.memref_slice %arg23[%dma_start3A_512, %dma_start3A_513] : memref<16x128xf32, #tpu.memory_space<vmem_shared>> -> memref<16x128xf32, #tpu.memory_space<vmem_shared>>
        tpu.enqueue_indirect_dma source(%dma_start3A_514 : memref<16x128xf32, #tpu.memory_space<vmem_shared>>) target(%arg14 : memref<80x128xf32, #tpu.memory_space<vmem>>) offsets(%dma_start3A_511 : memref<80xi32, #tpu.memory_space<vmem>>) semaphore(%arg25 : memref<!tpu.dma_semaphore, #tpu.memory_space<semaphore_mem>>)
      } else {
      }
      %mul3A_308 = arith.constant 6 : i32
      %mul3A_309 = arith.muli %mul3A_308, %scan3A_268 : i32
      %add3A_310 = arith.constant 3 : i32
      %add3A_311 = arith.addi %add3A_310, %mul3A_309 : i32
      %add3A_312 = arith.constant 1 : i32
      %add3A_313 = arith.addi %add3A_311, %add3A_312 : i32
      %dma_wait3A_314 = arith.constant 0 : i32
      %dma_wait3A_315 = arith.constant 0 : i32
      %dma_wait3A_316 = tpu.memref_slice %arg9[%dma_wait3A_314, %dma_wait3A_315] : memref<320000x128xf32, #tpu.memory_space<hbm>> -> memref<80x128xf32, #tpu.memory_space<hbm>>
      %dma_wait3A_317 = arith.constant 0 : i32
      %dma_wait3A_318 = arith.constant 0 : i32
      %dma_wait3A_319 = tpu.memref_slice %arg9[%dma_wait3A_317, %dma_wait3A_318] : memref<320000x128xf32, #tpu.memory_space<hbm>> -> memref<80x128xf32, #tpu.memory_space<hbm>>
      tpu.wait_dma2 semaphore(%arg29 : memref<!tpu.dma_semaphore, #tpu.memory_space<semaphore_mem>>) src(%dma_wait3A_319 : memref<80x128xf32, #tpu.memory_space<hbm>>) dst(%arg18 : memref<80x128xf32, #tpu.memory_space<vmem>>)
      %lt3A_320 = arith.constant 125 : i32
      %lt3A_321 = arith.cmpi slt, %add3A_313, %lt3A_320 : i32
      %convert_element_type3A_322 = arith.extui %lt3A_321 : i1 to i32
      %cond3A_323 = arith.constant 0 : i32
      %cond3A_324 = arith.cmpi ne, %convert_element_type3A_322, %cond3A_323 : i32
      scf.if %cond3A_324 {
        %mul3A_508 = arith.constant 80 : i32
        %mul3A_509 = arith.muli %add3A_313, %mul3A_508 : i32
        %add3A_510 = arith.addi %mul3A_2, %mul3A_509 : i32
        %dma_start3A_511 = arith.constant 0 : i32
        %dma_start3A_512 = tpu.memref_slice %arg9[%add3A_510, %dma_start3A_511] : memref<320000x128xf32, #tpu.memory_space<hbm>> -> memref<80x128xf32, #tpu.memory_space<hbm>>
        %dma_start3A_513 = arith.constant 0 : i32
        %dma_start3A_514 = tpu.memref_slice %arg9[%add3A_510, %dma_start3A_513] : memref<320000x128xf32, #tpu.memory_space<hbm>> -> memref<80x128xf32, #tpu.memory_space<hbm>>
        tpu.enqueue_dma source(%arg18 : memref<80x128xf32, #tpu.memory_space<vmem>>) target(%dma_start3A_514 : memref<80x128xf32, #tpu.memory_space<hbm>>) target_semaphore(%arg35 : memref<!tpu.dma_semaphore, #tpu.memory_space<semaphore_mem>>)
      } else {
      }
      %ge3A_325 = arith.constant 125 : i32
      %ge3A_326 = arith.cmpi sge, %add3A_313, %ge3A_325 : i32
      %convert_element_type3A_327 = arith.extui %ge3A_326 : i1 to i32
      %cond3A_328 = arith.constant 0 : i32
      %cond3A_329 = arith.cmpi ne, %convert_element_type3A_327, %cond3A_328 : i32
      scf.if %cond3A_329 {
        %sub3A = arith.constant 125 : i32
        %sub3A_508 = arith.subi %add3A_313, %sub3A : i32
        %mul3A_509 = arith.constant 80 : i32
        %mul3A_510 = arith.muli %sub3A_508, %mul3A_509 : i32
        %add3A_511 = arith.addi %mul3A_2, %mul3A_510 : i32
        %dma_start3A_512 = arith.constant 0 : i32
        %dma_start3A_513 = tpu.memref_slice %arg10[%add3A_511, %dma_start3A_512] : memref<320000x128xf32, #tpu.memory_space<hbm>> -> memref<80x128xf32, #tpu.memory_space<hbm>>
        %dma_start3A_514 = arith.constant 0 : i32
        %dma_start3A_515 = tpu.memref_slice %arg10[%add3A_511, %dma_start3A_514] : memref<320000x128xf32, #tpu.memory_space<hbm>> -> memref<80x128xf32, #tpu.memory_space<hbm>>
        tpu.enqueue_dma source(%arg18 : memref<80x128xf32, #tpu.memory_space<vmem>>) target(%dma_start3A_515 : memref<80x128xf32, #tpu.memory_space<hbm>>) target_semaphore(%arg35 : memref<!tpu.dma_semaphore, #tpu.memory_space<semaphore_mem>>)
      } else {
      }
      %dma_wait3A_330 = arith.constant 0 : i32
      %dma_wait3A_331 = arith.constant 0 : i32
      %dma_wait3A_332 = tpu.memref_slice %arg9[%dma_wait3A_330, %dma_wait3A_331] : memref<320000x128xf32, #tpu.memory_space<hbm>> -> memref<80x128xf32, #tpu.memory_space<hbm>>
      %dma_wait3A_333 = arith.constant 0 : i32
      %dma_wait3A_334 = arith.constant 0 : i32
      %dma_wait3A_335 = tpu.memref_slice %arg9[%dma_wait3A_333, %dma_wait3A_334] : memref<320000x128xf32, #tpu.memory_space<hbm>> -> memref<80x128xf32, #tpu.memory_space<hbm>>
      tpu.wait_dma2 semaphore(%arg32 : memref<!tpu.dma_semaphore, #tpu.memory_space<semaphore_mem>>) src(%arg15 : memref<80x128xf32, #tpu.memory_space<vmem>>) dst(%dma_wait3A_335 : memref<80x128xf32, #tpu.memory_space<hbm>>)
      %add3A_336 = arith.constant 3 : i32
      %add3A_337 = arith.addi %add3A_313, %add3A_336 : i32
      %lt3A_338 = arith.constant 125 : i32
      %lt3A_339 = arith.cmpi slt, %add3A_337, %lt3A_338 : i32
      %convert_element_type3A_340 = arith.extui %lt3A_339 : i1 to i32
      %cond3A_341 = arith.constant 0 : i32
      %cond3A_342 = arith.cmpi ne, %convert_element_type3A_340, %cond3A_341 : i32
      scf.if %cond3A_342 {
        %mul3A_508 = arith.constant 80 : i32
        %mul3A_509 = arith.muli %add3A_337, %mul3A_508 : i32
        %dma_start3A_510 = tpu.memref_slice %arg12[%mul3A_509] : memref<10000xi32, #tpu.memory_space<vmem>> -> memref<80xi32, #tpu.memory_space<vmem>>
        %dma_start3A_511 = arith.constant 0 : i32
        %dma_start3A_512 = arith.constant 0 : i32
        %dma_start3A_513 = tpu.memref_slice %arg22[%dma_start3A_511, %dma_start3A_512] : memref<16x128xf32, #tpu.memory_space<vmem_shared>> -> memref<16x128xf32, #tpu.memory_space<vmem_shared>>
        tpu.enqueue_indirect_dma source(%dma_start3A_513 : memref<16x128xf32, #tpu.memory_space<vmem_shared>>) target(%arg15 : memref<80x128xf32, #tpu.memory_space<vmem>>) offsets(%dma_start3A_510 : memref<80xi32, #tpu.memory_space<vmem>>) semaphore(%arg26 : memref<!tpu.dma_semaphore, #tpu.memory_space<semaphore_mem>>)
      } else {
      }
      %ge3A_343 = arith.constant 125 : i32
      %ge3A_344 = arith.cmpi sge, %add3A_337, %ge3A_343 : i32
      %convert_element_type3A_345 = arith.extui %ge3A_344 : i1 to i32
      %cond3A_346 = arith.constant 0 : i32
      %cond3A_347 = arith.cmpi ne, %convert_element_type3A_345, %cond3A_346 : i32
      scf.if %cond3A_347 {
        %sub3A = arith.constant 125 : i32
        %sub3A_508 = arith.subi %add3A_337, %sub3A : i32
        %mul3A_509 = arith.constant 80 : i32
        %mul3A_510 = arith.muli %sub3A_508, %mul3A_509 : i32
        %dma_start3A_511 = tpu.memref_slice %arg13[%mul3A_510] : memref<10000xi32, #tpu.memory_space<vmem>> -> memref<80xi32, #tpu.memory_space<vmem>>
        %dma_start3A_512 = arith.constant 0 : i32
        %dma_start3A_513 = arith.constant 0 : i32
        %dma_start3A_514 = tpu.memref_slice %arg24[%dma_start3A_512, %dma_start3A_513] : memref<16x128xf32, #tpu.memory_space<vmem_shared>> -> memref<16x128xf32, #tpu.memory_space<vmem_shared>>
        tpu.enqueue_indirect_dma source(%dma_start3A_514 : memref<16x128xf32, #tpu.memory_space<vmem_shared>>) target(%arg15 : memref<80x128xf32, #tpu.memory_space<vmem>>) offsets(%dma_start3A_511 : memref<80xi32, #tpu.memory_space<vmem>>) semaphore(%arg26 : memref<!tpu.dma_semaphore, #tpu.memory_space<semaphore_mem>>)
      } else {
      }
      %mul3A_348 = arith.constant 6 : i32
      %mul3A_349 = arith.muli %mul3A_348, %scan3A_268 : i32
      %add3A_350 = arith.constant 3 : i32
      %add3A_351 = arith.addi %add3A_350, %mul3A_349 : i32
      %add3A_352 = arith.constant 2 : i32
      %add3A_353 = arith.addi %add3A_351, %add3A_352 : i32
      %dma_wait3A_354 = arith.constant 0 : i32
      %dma_wait3A_355 = arith.constant 0 : i32
      %dma_wait3A_356 = tpu.memref_slice %arg9[%dma_wait3A_354, %dma_wait3A_355] : memref<320000x128xf32, #tpu.memory_space<hbm>> -> memref<80x128xf32, #tpu.memory_space<hbm>>
      %dma_wait3A_357 = arith.constant 0 : i32
      %dma_wait3A_358 = arith.constant 0 : i32
      %dma_wait3A_359 = tpu.memref_slice %arg9[%dma_wait3A_357, %dma_wait3A_358] : memref<320000x128xf32, #tpu.memory_space<hbm>> -> memref<80x128xf32, #tpu.memory_space<hbm>>
      tpu.wait_dma2 semaphore(%arg30 : memref<!tpu.dma_semaphore, #tpu.memory_space<semaphore_mem>>) src(%dma_wait3A_359 : memref<80x128xf32, #tpu.memory_space<hbm>>) dst(%arg19 : memref<80x128xf32, #tpu.memory_space<vmem>>)
      %lt3A_360 = arith.constant 125 : i32
      %lt3A_361 = arith.cmpi slt, %add3A_353, %lt3A_360 : i32
      %convert_element_type3A_362 = arith.extui %lt3A_361 : i1 to i32
      %cond3A_363 = arith.constant 0 : i32
      %cond3A_364 = arith.cmpi ne, %convert_element_type3A_362, %cond3A_363 : i32
      scf.if %cond3A_364 {
        %mul3A_508 = arith.constant 80 : i32
        %mul3A_509 = arith.muli %add3A_353, %mul3A_508 : i32
        %add3A_510 = arith.addi %mul3A_2, %mul3A_509 : i32
        %dma_start3A_511 = arith.constant 0 : i32
        %dma_start3A_512 = tpu.memref_slice %arg9[%add3A_510, %dma_start3A_511] : memref<320000x128xf32, #tpu.memory_space<hbm>> -> memref<80x128xf32, #tpu.memory_space<hbm>>
        %dma_start3A_513 = arith.constant 0 : i32
        %dma_start3A_514 = tpu.memref_slice %arg9[%add3A_510, %dma_start3A_513] : memref<320000x128xf32, #tpu.memory_space<hbm>> -> memref<80x128xf32, #tpu.memory_space<hbm>>
        tpu.enqueue_dma source(%arg19 : memref<80x128xf32, #tpu.memory_space<vmem>>) target(%dma_start3A_514 : memref<80x128xf32, #tpu.memory_space<hbm>>) target_semaphore(%arg36 : memref<!tpu.dma_semaphore, #tpu.memory_space<semaphore_mem>>)
      } else {
      }
      %ge3A_365 = arith.constant 125 : i32
      %ge3A_366 = arith.cmpi sge, %add3A_353, %ge3A_365 : i32
      %convert_element_type3A_367 = arith.extui %ge3A_366 : i1 to i32
      %cond3A_368 = arith.constant 0 : i32
      %cond3A_369 = arith.cmpi ne, %convert_element_type3A_367, %cond3A_368 : i32
      scf.if %cond3A_369 {
        %sub3A = arith.constant 125 : i32
        %sub3A_508 = arith.subi %add3A_353, %sub3A : i32
        %mul3A_509 = arith.constant 80 : i32
        %mul3A_510 = arith.muli %sub3A_508, %mul3A_509 : i32
        %add3A_511 = arith.addi %mul3A_2, %mul3A_510 : i32
        %dma_start3A_512 = arith.constant 0 : i32
        %dma_start3A_513 = tpu.memref_slice %arg10[%add3A_511, %dma_start3A_512] : memref<320000x128xf32, #tpu.memory_space<hbm>> -> memref<80x128xf32, #tpu.memory_space<hbm>>
        %dma_start3A_514 = arith.constant 0 : i32
        %dma_start3A_515 = tpu.memref_slice %arg10[%add3A_511, %dma_start3A_514] : memref<320000x128xf32, #tpu.memory_space<hbm>> -> memref<80x128xf32, #tpu.memory_space<hbm>>
        tpu.enqueue_dma source(%arg19 : memref<80x128xf32, #tpu.memory_space<vmem>>) target(%dma_start3A_515 : memref<80x128xf32, #tpu.memory_space<hbm>>) target_semaphore(%arg36 : memref<!tpu.dma_semaphore, #tpu.memory_space<semaphore_mem>>)
      } else {
      }
      %dma_wait3A_370 = arith.constant 0 : i32
      %dma_wait3A_371 = arith.constant 0 : i32
      %dma_wait3A_372 = tpu.memref_slice %arg9[%dma_wait3A_370, %dma_wait3A_371] : memref<320000x128xf32, #tpu.memory_space<hbm>> -> memref<80x128xf32, #tpu.memory_space<hbm>>
      %dma_wait3A_373 = arith.constant 0 : i32
      %dma_wait3A_374 = arith.constant 0 : i32
      %dma_wait3A_375 = tpu.memref_slice %arg9[%dma_wait3A_373, %dma_wait3A_374] : memref<320000x128xf32, #tpu.memory_space<hbm>> -> memref<80x128xf32, #tpu.memory_space<hbm>>
      tpu.wait_dma2 semaphore(%arg33 : memref<!tpu.dma_semaphore, #tpu.memory_space<semaphore_mem>>) src(%arg16 : memref<80x128xf32, #tpu.memory_space<vmem>>) dst(%dma_wait3A_375 : memref<80x128xf32, #tpu.memory_space<hbm>>)
      %add3A_376 = arith.constant 3 : i32
      %add3A_377 = arith.addi %add3A_353, %add3A_376 : i32
      %lt3A_378 = arith.constant 125 : i32
      %lt3A_379 = arith.cmpi slt, %add3A_377, %lt3A_378 : i32
      %convert_element_type3A_380 = arith.extui %lt3A_379 : i1 to i32
      %cond3A_381 = arith.constant 0 : i32
      %cond3A_382 = arith.cmpi ne, %convert_element_type3A_380, %cond3A_381 : i32
      scf.if %cond3A_382 {
        %mul3A_508 = arith.constant 80 : i32
        %mul3A_509 = arith.muli %add3A_377, %mul3A_508 : i32
        %dma_start3A_510 = tpu.memref_slice %arg12[%mul3A_509] : memref<10000xi32, #tpu.memory_space<vmem>> -> memref<80xi32, #tpu.memory_space<vmem>>
        %dma_start3A_511 = arith.constant 0 : i32
        %dma_start3A_512 = arith.constant 0 : i32
        %dma_start3A_513 = tpu.memref_slice %arg21[%dma_start3A_511, %dma_start3A_512] : memref<16x128xf32, #tpu.memory_space<vmem_shared>> -> memref<16x128xf32, #tpu.memory_space<vmem_shared>>
        tpu.enqueue_indirect_dma source(%dma_start3A_513 : memref<16x128xf32, #tpu.memory_space<vmem_shared>>) target(%arg16 : memref<80x128xf32, #tpu.memory_space<vmem>>) offsets(%dma_start3A_510 : memref<80xi32, #tpu.memory_space<vmem>>) semaphore(%arg27 : memref<!tpu.dma_semaphore, #tpu.memory_space<semaphore_mem>>)
      } else {
      }
      %ge3A_383 = arith.constant 125 : i32
      %ge3A_384 = arith.cmpi sge, %add3A_377, %ge3A_383 : i32
      %convert_element_type3A_385 = arith.extui %ge3A_384 : i1 to i32
      %cond3A_386 = arith.constant 0 : i32
      %cond3A_387 = arith.cmpi ne, %convert_element_type3A_385, %cond3A_386 : i32
      scf.if %cond3A_387 {
        %sub3A = arith.constant 125 : i32
        %sub3A_508 = arith.subi %add3A_377, %sub3A : i32
        %mul3A_509 = arith.constant 80 : i32
        %mul3A_510 = arith.muli %sub3A_508, %mul3A_509 : i32
        %dma_start3A_511 = tpu.memref_slice %arg13[%mul3A_510] : memref<10000xi32, #tpu.memory_space<vmem>> -> memref<80xi32, #tpu.memory_space<vmem>>
        %dma_start3A_512 = arith.constant 0 : i32
        %dma_start3A_513 = arith.constant 0 : i32
        %dma_start3A_514 = tpu.memref_slice %arg23[%dma_start3A_512, %dma_start3A_513] : memref<16x128xf32, #tpu.memory_space<vmem_shared>> -> memref<16x128xf32, #tpu.memory_space<vmem_shared>>
        tpu.enqueue_indirect_dma source(%dma_start3A_514 : memref<16x128xf32, #tpu.memory_space<vmem_shared>>) target(%arg16 : memref<80x128xf32, #tpu.memory_space<vmem>>) offsets(%dma_start3A_511 : memref<80xi32, #tpu.memory_space<vmem>>) semaphore(%arg27 : memref<!tpu.dma_semaphore, #tpu.memory_space<semaphore_mem>>)
      } else {
      }
      %mul3A_388 = arith.constant 6 : i32
      %mul3A_389 = arith.muli %mul3A_388, %scan3A_268 : i32
      %add3A_390 = arith.constant 3 : i32
      %add3A_391 = arith.addi %add3A_390, %mul3A_389 : i32
      %add3A_392 = arith.constant 3 : i32
      %add3A_393 = arith.addi %add3A_391, %add3A_392 : i32
      %dma_wait3A_394 = arith.constant 0 : i32
      %dma_wait3A_395 = arith.constant 0 : i32
      %dma_wait3A_396 = tpu.memref_slice %arg9[%dma_wait3A_394, %dma_wait3A_395] : memref<320000x128xf32, #tpu.memory_space<hbm>> -> memref<80x128xf32, #tpu.memory_space<hbm>>
      %dma_wait3A_397 = arith.constant 0 : i32
      %dma_wait3A_398 = arith.constant 0 : i32
      %dma_wait3A_399 = tpu.memref_slice %arg9[%dma_wait3A_397, %dma_wait3A_398] : memref<320000x128xf32, #tpu.memory_space<hbm>> -> memref<80x128xf32, #tpu.memory_space<hbm>>
      tpu.wait_dma2 semaphore(%arg25 : memref<!tpu.dma_semaphore, #tpu.memory_space<semaphore_mem>>) src(%dma_wait3A_399 : memref<80x128xf32, #tpu.memory_space<hbm>>) dst(%arg14 : memref<80x128xf32, #tpu.memory_space<vmem>>)
      %lt3A_400 = arith.constant 125 : i32
      %lt3A_401 = arith.cmpi slt, %add3A_393, %lt3A_400 : i32
      %convert_element_type3A_402 = arith.extui %lt3A_401 : i1 to i32
      %cond3A_403 = arith.constant 0 : i32
      %cond3A_404 = arith.cmpi ne, %convert_element_type3A_402, %cond3A_403 : i32
      scf.if %cond3A_404 {
        %mul3A_508 = arith.constant 80 : i32
        %mul3A_509 = arith.muli %add3A_393, %mul3A_508 : i32
        %add3A_510 = arith.addi %mul3A_2, %mul3A_509 : i32
        %dma_start3A_511 = arith.constant 0 : i32
        %dma_start3A_512 = tpu.memref_slice %arg9[%add3A_510, %dma_start3A_511] : memref<320000x128xf32, #tpu.memory_space<hbm>> -> memref<80x128xf32, #tpu.memory_space<hbm>>
        %dma_start3A_513 = arith.constant 0 : i32
        %dma_start3A_514 = tpu.memref_slice %arg9[%add3A_510, %dma_start3A_513] : memref<320000x128xf32, #tpu.memory_space<hbm>> -> memref<80x128xf32, #tpu.memory_space<hbm>>
        tpu.enqueue_dma source(%arg14 : memref<80x128xf32, #tpu.memory_space<vmem>>) target(%dma_start3A_514 : memref<80x128xf32, #tpu.memory_space<hbm>>) target_semaphore(%arg31 : memref<!tpu.dma_semaphore, #tpu.memory_space<semaphore_mem>>)
      } else {
      }
      %ge3A_405 = arith.constant 125 : i32
      %ge3A_406 = arith.cmpi sge, %add3A_393, %ge3A_405 : i32
      %convert_element_type3A_407 = arith.extui %ge3A_406 : i1 to i32
      %cond3A_408 = arith.constant 0 : i32
      %cond3A_409 = arith.cmpi ne, %convert_element_type3A_407, %cond3A_408 : i32
      scf.if %cond3A_409 {
        %sub3A = arith.constant 125 : i32
        %sub3A_508 = arith.subi %add3A_393, %sub3A : i32
        %mul3A_509 = arith.constant 80 : i32
        %mul3A_510 = arith.muli %sub3A_508, %mul3A_509 : i32
        %add3A_511 = arith.addi %mul3A_2, %mul3A_510 : i32
        %dma_start3A_512 = arith.constant 0 : i32
        %dma_start3A_513 = tpu.memref_slice %arg10[%add3A_511, %dma_start3A_512] : memref<320000x128xf32, #tpu.memory_space<hbm>> -> memref<80x128xf32, #tpu.memory_space<hbm>>
        %dma_start3A_514 = arith.constant 0 : i32
        %dma_start3A_515 = tpu.memref_slice %arg10[%add3A_511, %dma_start3A_514] : memref<320000x128xf32, #tpu.memory_space<hbm>> -> memref<80x128xf32, #tpu.memory_space<hbm>>
        tpu.enqueue_dma source(%arg14 : memref<80x128xf32, #tpu.memory_space<vmem>>) target(%dma_start3A_515 : memref<80x128xf32, #tpu.memory_space<hbm>>) target_semaphore(%arg31 : memref<!tpu.dma_semaphore, #tpu.memory_space<semaphore_mem>>)
      } else {
      }
      %dma_wait3A_410 = arith.constant 0 : i32
      %dma_wait3A_411 = arith.constant 0 : i32
      %dma_wait3A_412 = tpu.memref_slice %arg9[%dma_wait3A_410, %dma_wait3A_411] : memref<320000x128xf32, #tpu.memory_space<hbm>> -> memref<80x128xf32, #tpu.memory_space<hbm>>
      %dma_wait3A_413 = arith.constant 0 : i32
      %dma_wait3A_414 = arith.constant 0 : i32
      %dma_wait3A_415 = tpu.memref_slice %arg9[%dma_wait3A_413, %dma_wait3A_414] : memref<320000x128xf32, #tpu.memory_space<hbm>> -> memref<80x128xf32, #tpu.memory_space<hbm>>
      tpu.wait_dma2 semaphore(%arg34 : memref<!tpu.dma_semaphore, #tpu.memory_space<semaphore_mem>>) src(%arg17 : memref<80x128xf32, #tpu.memory_space<vmem>>) dst(%dma_wait3A_415 : memref<80x128xf32, #tpu.memory_space<hbm>>)
      %add3A_416 = arith.constant 3 : i32
      %add3A_417 = arith.addi %add3A_393, %add3A_416 : i32
      %lt3A_418 = arith.constant 125 : i32
      %lt3A_419 = arith.cmpi slt, %add3A_417, %lt3A_418 : i32
      %convert_element_type3A_420 = arith.extui %lt3A_419 : i1 to i32
      %cond3A_421 = arith.constant 0 : i32
      %cond3A_422 = arith.cmpi ne, %convert_element_type3A_420, %cond3A_421 : i32
      scf.if %cond3A_422 {
        %mul3A_508 = arith.constant 80 : i32
        %mul3A_509 = arith.muli %add3A_417, %mul3A_508 : i32
        %dma_start3A_510 = tpu.memref_slice %arg12[%mul3A_509] : memref<10000xi32, #tpu.memory_space<vmem>> -> memref<80xi32, #tpu.memory_space<vmem>>
        %dma_start3A_511 = arith.constant 0 : i32
        %dma_start3A_512 = arith.constant 0 : i32
        %dma_start3A_513 = tpu.memref_slice %arg22[%dma_start3A_511, %dma_start3A_512] : memref<16x128xf32, #tpu.memory_space<vmem_shared>> -> memref<16x128xf32, #tpu.memory_space<vmem_shared>>
        tpu.enqueue_indirect_dma source(%dma_start3A_513 : memref<16x128xf32, #tpu.memory_space<vmem_shared>>) target(%arg17 : memref<80x128xf32, #tpu.memory_space<vmem>>) offsets(%dma_start3A_510 : memref<80xi32, #tpu.memory_space<vmem>>) semaphore(%arg28 : memref<!tpu.dma_semaphore, #tpu.memory_space<semaphore_mem>>)
      } else {
      }
      %ge3A_423 = arith.constant 125 : i32
      %ge3A_424 = arith.cmpi sge, %add3A_417, %ge3A_423 : i32
      %convert_element_type3A_425 = arith.extui %ge3A_424 : i1 to i32
      %cond3A_426 = arith.constant 0 : i32
      %cond3A_427 = arith.cmpi ne, %convert_element_type3A_425, %cond3A_426 : i32
      scf.if %cond3A_427 {
        %sub3A = arith.constant 125 : i32
        %sub3A_508 = arith.subi %add3A_417, %sub3A : i32
        %mul3A_509 = arith.constant 80 : i32
        %mul3A_510 = arith.muli %sub3A_508, %mul3A_509 : i32
        %dma_start3A_511 = tpu.memref_slice %arg13[%mul3A_510] : memref<10000xi32, #tpu.memory_space<vmem>> -> memref<80xi32, #tpu.memory_space<vmem>>
        %dma_start3A_512 = arith.constant 0 : i32
        %dma_start3A_513 = arith.constant 0 : i32
        %dma_start3A_514 = tpu.memref_slice %arg24[%dma_start3A_512, %dma_start3A_513] : memref<16x128xf32, #tpu.memory_space<vmem_shared>> -> memref<16x128xf32, #tpu.memory_space<vmem_shared>>
        tpu.enqueue_indirect_dma source(%dma_start3A_514 : memref<16x128xf32, #tpu.memory_space<vmem_shared>>) target(%arg17 : memref<80x128xf32, #tpu.memory_space<vmem>>) offsets(%dma_start3A_511 : memref<80xi32, #tpu.memory_space<vmem>>) semaphore(%arg28 : memref<!tpu.dma_semaphore, #tpu.memory_space<semaphore_mem>>)
      } else {
      }
      %mul3A_428 = arith.constant 6 : i32
      %mul3A_429 = arith.muli %mul3A_428, %scan3A_268 : i32
      %add3A_430 = arith.constant 3 : i32
      %add3A_431 = arith.addi %add3A_430, %mul3A_429 : i32
      %add3A_432 = arith.constant 4 : i32
      %add3A_433 = arith.addi %add3A_431, %add3A_432 : i32
      %dma_wait3A_434 = arith.constant 0 : i32
      %dma_wait3A_435 = arith.constant 0 : i32
      %dma_wait3A_436 = tpu.memref_slice %arg9[%dma_wait3A_434, %dma_wait3A_435] : memref<320000x128xf32, #tpu.memory_space<hbm>> -> memref<80x128xf32, #tpu.memory_space<hbm>>
      %dma_wait3A_437 = arith.constant 0 : i32
      %dma_wait3A_438 = arith.constant 0 : i32
      %dma_wait3A_439 = tpu.memref_slice %arg9[%dma_wait3A_437, %dma_wait3A_438] : memref<320000x128xf32, #tpu.memory_space<hbm>> -> memref<80x128xf32, #tpu.memory_space<hbm>>
      tpu.wait_dma2 semaphore(%arg26 : memref<!tpu.dma_semaphore, #tpu.memory_space<semaphore_mem>>) src(%dma_wait3A_439 : memref<80x128xf32, #tpu.memory_space<hbm>>) dst(%arg15 : memref<80x128xf32, #tpu.memory_space<vmem>>)
      %lt3A_440 = arith.constant 125 : i32
      %lt3A_441 = arith.cmpi slt, %add3A_433, %lt3A_440 : i32
      %convert_element_type3A_442 = arith.extui %lt3A_441 : i1 to i32
      %cond3A_443 = arith.constant 0 : i32
      %cond3A_444 = arith.cmpi ne, %convert_element_type3A_442, %cond3A_443 : i32
      scf.if %cond3A_444 {
        %mul3A_508 = arith.constant 80 : i32
        %mul3A_509 = arith.muli %add3A_433, %mul3A_508 : i32
        %add3A_510 = arith.addi %mul3A_2, %mul3A_509 : i32
        %dma_start3A_511 = arith.constant 0 : i32
        %dma_start3A_512 = tpu.memref_slice %arg9[%add3A_510, %dma_start3A_511] : memref<320000x128xf32, #tpu.memory_space<hbm>> -> memref<80x128xf32, #tpu.memory_space<hbm>>
        %dma_start3A_513 = arith.constant 0 : i32
        %dma_start3A_514 = tpu.memref_slice %arg9[%add3A_510, %dma_start3A_513] : memref<320000x128xf32, #tpu.memory_space<hbm>> -> memref<80x128xf32, #tpu.memory_space<hbm>>
        tpu.enqueue_dma source(%arg15 : memref<80x128xf32, #tpu.memory_space<vmem>>) target(%dma_start3A_514 : memref<80x128xf32, #tpu.memory_space<hbm>>) target_semaphore(%arg32 : memref<!tpu.dma_semaphore, #tpu.memory_space<semaphore_mem>>)
      } else {
      }
      %ge3A_445 = arith.constant 125 : i32
      %ge3A_446 = arith.cmpi sge, %add3A_433, %ge3A_445 : i32
      %convert_element_type3A_447 = arith.extui %ge3A_446 : i1 to i32
      %cond3A_448 = arith.constant 0 : i32
      %cond3A_449 = arith.cmpi ne, %convert_element_type3A_447, %cond3A_448 : i32
      scf.if %cond3A_449 {
        %sub3A = arith.constant 125 : i32
        %sub3A_508 = arith.subi %add3A_433, %sub3A : i32
        %mul3A_509 = arith.constant 80 : i32
        %mul3A_510 = arith.muli %sub3A_508, %mul3A_509 : i32
        %add3A_511 = arith.addi %mul3A_2, %mul3A_510 : i32
        %dma_start3A_512 = arith.constant 0 : i32
        %dma_start3A_513 = tpu.memref_slice %arg10[%add3A_511, %dma_start3A_512] : memref<320000x128xf32, #tpu.memory_space<hbm>> -> memref<80x128xf32, #tpu.memory_space<hbm>>
        %dma_start3A_514 = arith.constant 0 : i32
        %dma_start3A_515 = tpu.memref_slice %arg10[%add3A_511, %dma_start3A_514] : memref<320000x128xf32, #tpu.memory_space<hbm>> -> memref<80x128xf32, #tpu.memory_space<hbm>>
        tpu.enqueue_dma source(%arg15 : memref<80x128xf32, #tpu.memory_space<vmem>>) target(%dma_start3A_515 : memref<80x128xf32, #tpu.memory_space<hbm>>) target_semaphore(%arg32 : memref<!tpu.dma_semaphore, #tpu.memory_space<semaphore_mem>>)
      } else {
      }
      %dma_wait3A_450 = arith.constant 0 : i32
      %dma_wait3A_451 = arith.constant 0 : i32
      %dma_wait3A_452 = tpu.memref_slice %arg9[%dma_wait3A_450, %dma_wait3A_451] : memref<320000x128xf32, #tpu.memory_space<hbm>> -> memref<80x128xf32, #tpu.memory_space<hbm>>
      %dma_wait3A_453 = arith.constant 0 : i32
      %dma_wait3A_454 = arith.constant 0 : i32
      %dma_wait3A_455 = tpu.memref_slice %arg9[%dma_wait3A_453, %dma_wait3A_454] : memref<320000x128xf32, #tpu.memory_space<hbm>> -> memref<80x128xf32, #tpu.memory_space<hbm>>
      tpu.wait_dma2 semaphore(%arg35 : memref<!tpu.dma_semaphore, #tpu.memory_space<semaphore_mem>>) src(%arg18 : memref<80x128xf32, #tpu.memory_space<vmem>>) dst(%dma_wait3A_455 : memref<80x128xf32, #tpu.memory_space<hbm>>)
      %add3A_456 = arith.constant 3 : i32
      %add3A_457 = arith.addi %add3A_433, %add3A_456 : i32
      %lt3A_458 = arith.constant 125 : i32
      %lt3A_459 = arith.cmpi slt, %add3A_457, %lt3A_458 : i32
      %convert_element_type3A_460 = arith.extui %lt3A_459 : i1 to i32
      %cond3A_461 = arith.constant 0 : i32
      %cond3A_462 = arith.cmpi ne, %convert_element_type3A_460, %cond3A_461 : i32
      scf.if %cond3A_462 {
        %mul3A_508 = arith.constant 80 : i32
        %mul3A_509 = arith.muli %add3A_457, %mul3A_508 : i32
        %dma_start3A_510 = tpu.memref_slice %arg12[%mul3A_509] : memref<10000xi32, #tpu.memory_space<vmem>> -> memref<80xi32, #tpu.memory_space<vmem>>
        %dma_start3A_511 = arith.constant 0 : i32
        %dma_start3A_512 = arith.constant 0 : i32
        %dma_start3A_513 = tpu.memref_slice %arg21[%dma_start3A_511, %dma_start3A_512] : memref<16x128xf32, #tpu.memory_space<vmem_shared>> -> memref<16x128xf32, #tpu.memory_space<vmem_shared>>
        tpu.enqueue_indirect_dma source(%dma_start3A_513 : memref<16x128xf32, #tpu.memory_space<vmem_shared>>) target(%arg18 : memref<80x128xf32, #tpu.memory_space<vmem>>) offsets(%dma_start3A_510 : memref<80xi32, #tpu.memory_space<vmem>>) semaphore(%arg29 : memref<!tpu.dma_semaphore, #tpu.memory_space<semaphore_mem>>)
      } else {
      }
      %ge3A_463 = arith.constant 125 : i32
      %ge3A_464 = arith.cmpi sge, %add3A_457, %ge3A_463 : i32
      %convert_element_type3A_465 = arith.extui %ge3A_464 : i1 to i32
      %cond3A_466 = arith.constant 0 : i32
      %cond3A_467 = arith.cmpi ne, %convert_element_type3A_465, %cond3A_466 : i32
      scf.if %cond3A_467 {
        %sub3A = arith.constant 125 : i32
        %sub3A_508 = arith.subi %add3A_457, %sub3A : i32
        %mul3A_509 = arith.constant 80 : i32
        %mul3A_510 = arith.muli %sub3A_508, %mul3A_509 : i32
        %dma_start3A_511 = tpu.memref_slice %arg13[%mul3A_510] : memref<10000xi32, #tpu.memory_space<vmem>> -> memref<80xi32, #tpu.memory_space<vmem>>
        %dma_start3A_512 = arith.constant 0 : i32
        %dma_start3A_513 = arith.constant 0 : i32
        %dma_start3A_514 = tpu.memref_slice %arg23[%dma_start3A_512, %dma_start3A_513] : memref<16x128xf32, #tpu.memory_space<vmem_shared>> -> memref<16x128xf32, #tpu.memory_space<vmem_shared>>
        tpu.enqueue_indirect_dma source(%dma_start3A_514 : memref<16x128xf32, #tpu.memory_space<vmem_shared>>) target(%arg18 : memref<80x128xf32, #tpu.memory_space<vmem>>) offsets(%dma_start3A_511 : memref<80xi32, #tpu.memory_space<vmem>>) semaphore(%arg29 : memref<!tpu.dma_semaphore, #tpu.memory_space<semaphore_mem>>)
      } else {
      }
      %mul3A_468 = arith.constant 6 : i32
      %mul3A_469 = arith.muli %mul3A_468, %scan3A_268 : i32
      %add3A_470 = arith.constant 3 : i32
      %add3A_471 = arith.addi %add3A_470, %mul3A_469 : i32
      %add3A_472 = arith.constant 5 : i32
      %add3A_473 = arith.addi %add3A_471, %add3A_472 : i32
      %dma_wait3A_474 = arith.constant 0 : i32
      %dma_wait3A_475 = arith.constant 0 : i32
      %dma_wait3A_476 = tpu.memref_slice %arg9[%dma_wait3A_474, %dma_wait3A_475] : memref<320000x128xf32, #tpu.memory_space<hbm>> -> memref<80x128xf32, #tpu.memory_space<hbm>>
      %dma_wait3A_477 = arith.constant 0 : i32
      %dma_wait3A_478 = arith.constant 0 : i32
      %dma_wait3A_479 = tpu.memref_slice %arg9[%dma_wait3A_477, %dma_wait3A_478] : memref<320000x128xf32, #tpu.memory_space<hbm>> -> memref<80x128xf32, #tpu.memory_space<hbm>>
      tpu.wait_dma2 semaphore(%arg27 : memref<!tpu.dma_semaphore, #tpu.memory_space<semaphore_mem>>) src(%dma_wait3A_479 : memref<80x128xf32, #tpu.memory_space<hbm>>) dst(%arg16 : memref<80x128xf32, #tpu.memory_space<vmem>>)
      %lt3A_480 = arith.constant 125 : i32
      %lt3A_481 = arith.cmpi slt, %add3A_473, %lt3A_480 : i32
      %convert_element_type3A_482 = arith.extui %lt3A_481 : i1 to i32
      %cond3A_483 = arith.constant 0 : i32
      %cond3A_484 = arith.cmpi ne, %convert_element_type3A_482, %cond3A_483 : i32
      scf.if %cond3A_484 {
        %mul3A_508 = arith.constant 80 : i32
        %mul3A_509 = arith.muli %add3A_473, %mul3A_508 : i32
        %add3A_510 = arith.addi %mul3A_2, %mul3A_509 : i32
        %dma_start3A_511 = arith.constant 0 : i32
        %dma_start3A_512 = tpu.memref_slice %arg9[%add3A_510, %dma_start3A_511] : memref<320000x128xf32, #tpu.memory_space<hbm>> -> memref<80x128xf32, #tpu.memory_space<hbm>>
        %dma_start3A_513 = arith.constant 0 : i32
        %dma_start3A_514 = tpu.memref_slice %arg9[%add3A_510, %dma_start3A_513] : memref<320000x128xf32, #tpu.memory_space<hbm>> -> memref<80x128xf32, #tpu.memory_space<hbm>>
        tpu.enqueue_dma source(%arg16 : memref<80x128xf32, #tpu.memory_space<vmem>>) target(%dma_start3A_514 : memref<80x128xf32, #tpu.memory_space<hbm>>) target_semaphore(%arg33 : memref<!tpu.dma_semaphore, #tpu.memory_space<semaphore_mem>>)
      } else {
      }
      %ge3A_485 = arith.constant 125 : i32
      %ge3A_486 = arith.cmpi sge, %add3A_473, %ge3A_485 : i32
      %convert_element_type3A_487 = arith.extui %ge3A_486 : i1 to i32
      %cond3A_488 = arith.constant 0 : i32
      %cond3A_489 = arith.cmpi ne, %convert_element_type3A_487, %cond3A_488 : i32
      scf.if %cond3A_489 {
        %sub3A = arith.constant 125 : i32
        %sub3A_508 = arith.subi %add3A_473, %sub3A : i32
        %mul3A_509 = arith.constant 80 : i32
        %mul3A_510 = arith.muli %sub3A_508, %mul3A_509 : i32
        %add3A_511 = arith.addi %mul3A_2, %mul3A_510 : i32
        %dma_start3A_512 = arith.constant 0 : i32
        %dma_start3A_513 = tpu.memref_slice %arg10[%add3A_511, %dma_start3A_512] : memref<320000x128xf32, #tpu.memory_space<hbm>> -> memref<80x128xf32, #tpu.memory_space<hbm>>
        %dma_start3A_514 = arith.constant 0 : i32
        %dma_start3A_515 = tpu.memref_slice %arg10[%add3A_511, %dma_start3A_514] : memref<320000x128xf32, #tpu.memory_space<hbm>> -> memref<80x128xf32, #tpu.memory_space<hbm>>
        tpu.enqueue_dma source(%arg16 : memref<80x128xf32, #tpu.memory_space<vmem>>) target(%dma_start3A_515 : memref<80x128xf32, #tpu.memory_space<hbm>>) target_semaphore(%arg33 : memref<!tpu.dma_semaphore, #tpu.memory_space<semaphore_mem>>)
      } else {
      }
      %dma_wait3A_490 = arith.constant 0 : i32
      %dma_wait3A_491 = arith.constant 0 : i32
      %dma_wait3A_492 = tpu.memref_slice %arg9[%dma_wait3A_490, %dma_wait3A_491] : memref<320000x128xf32, #tpu.memory_space<hbm>> -> memref<80x128xf32, #tpu.memory_space<hbm>>
      %dma_wait3A_493 = arith.constant 0 : i32
      %dma_wait3A_494 = arith.constant 0 : i32
      %dma_wait3A_495 = tpu.memref_slice %arg9[%dma_wait3A_493, %dma_wait3A_494] : memref<320000x128xf32, #tpu.memory_space<hbm>> -> memref<80x128xf32, #tpu.memory_space<hbm>>
      tpu.wait_dma2 semaphore(%arg36 : memref<!tpu.dma_semaphore, #tpu.memory_space<semaphore_mem>>) src(%arg19 : memref<80x128xf32, #tpu.memory_space<vmem>>) dst(%dma_wait3A_495 : memref<80x128xf32, #tpu.memory_space<hbm>>)
      %add3A_496 = arith.constant 3 : i32
      %add3A_497 = arith.addi %add3A_473, %add3A_496 : i32
      %lt3A_498 = arith.constant 125 : i32
      %lt3A_499 = arith.cmpi slt, %add3A_497, %lt3A_498 : i32
      %convert_element_type3A_500 = arith.extui %lt3A_499 : i1 to i32
      %cond3A_501 = arith.constant 0 : i32
      %cond3A_502 = arith.cmpi ne, %convert_element_type3A_500, %cond3A_501 : i32
      scf.if %cond3A_502 {
        %mul3A_508 = arith.constant 80 : i32
        %mul3A_509 = arith.muli %add3A_497, %mul3A_508 : i32
        %dma_start3A_510 = tpu.memref_slice %arg12[%mul3A_509] : memref<10000xi32, #tpu.memory_space<vmem>> -> memref<80xi32, #tpu.memory_space<vmem>>
        %dma_start3A_511 = arith.constant 0 : i32
        %dma_start3A_512 = arith.constant 0 : i32
        %dma_start3A_513 = tpu.memref_slice %arg22[%dma_start3A_511, %dma_start3A_512] : memref<16x128xf32, #tpu.memory_space<vmem_shared>> -> memref<16x128xf32, #tpu.memory_space<vmem_shared>>
        tpu.enqueue_indirect_dma source(%dma_start3A_513 : memref<16x128xf32, #tpu.memory_space<vmem_shared>>) target(%arg19 : memref<80x128xf32, #tpu.memory_space<vmem>>) offsets(%dma_start3A_510 : memref<80xi32, #tpu.memory_space<vmem>>) semaphore(%arg30 : memref<!tpu.dma_semaphore, #tpu.memory_space<semaphore_mem>>)
      } else {
      }
      %ge3A_503 = arith.constant 125 : i32
      %ge3A_504 = arith.cmpi sge, %add3A_497, %ge3A_503 : i32
      %convert_element_type3A_505 = arith.extui %ge3A_504 : i1 to i32
      %cond3A_506 = arith.constant 0 : i32
      %cond3A_507 = arith.cmpi ne, %convert_element_type3A_505, %cond3A_506 : i32
      scf.if %cond3A_507 {
        %sub3A = arith.constant 125 : i32
        %sub3A_508 = arith.subi %add3A_497, %sub3A : i32
        %mul3A_509 = arith.constant 80 : i32
        %mul3A_510 = arith.muli %sub3A_508, %mul3A_509 : i32
        %dma_start3A_511 = tpu.memref_slice %arg13[%mul3A_510] : memref<10000xi32, #tpu.memory_space<vmem>> -> memref<80xi32, #tpu.memory_space<vmem>>
        %dma_start3A_512 = arith.constant 0 : i32
        %dma_start3A_513 = arith.constant 0 : i32
        %dma_start3A_514 = tpu.memref_slice %arg24[%dma_start3A_512, %dma_start3A_513] : memref<16x128xf32, #tpu.memory_space<vmem_shared>> -> memref<16x128xf32, #tpu.memory_space<vmem_shared>>
        tpu.enqueue_indirect_dma source(%dma_start3A_514 : memref<16x128xf32, #tpu.memory_space<vmem_shared>>) target(%arg19 : memref<80x128xf32, #tpu.memory_space<vmem>>) offsets(%dma_start3A_511 : memref<80xi32, #tpu.memory_space<vmem>>) semaphore(%arg30 : memref<!tpu.dma_semaphore, #tpu.memory_space<semaphore_mem>>)
      } else {
      }
    }
    %scan3A_93 = arith.constant 40 : i32
    %dma_wait3A_94 = arith.constant 0 : i32
    %dma_wait3A_95 = arith.constant 0 : i32
    %dma_wait3A_96 = tpu.memref_slice %arg9[%dma_wait3A_94, %dma_wait3A_95] : memref<320000x128xf32, #tpu.memory_space<hbm>> -> memref<80x128xf32, #tpu.memory_space<hbm>>
    %dma_wait3A_97 = arith.constant 0 : i32
    %dma_wait3A_98 = arith.constant 0 : i32
    %dma_wait3A_99 = tpu.memref_slice %arg9[%dma_wait3A_97, %dma_wait3A_98] : memref<320000x128xf32, #tpu.memory_space<hbm>> -> memref<80x128xf32, #tpu.memory_space<hbm>>
    tpu.wait_dma2 semaphore(%arg28 : memref<!tpu.dma_semaphore, #tpu.memory_space<semaphore_mem>>) src(%dma_wait3A_99 : memref<80x128xf32, #tpu.memory_space<hbm>>) dst(%arg17 : memref<80x128xf32, #tpu.memory_space<vmem>>)
    %add3A_100 = arith.constant 9440 : i32
    %add3A_101 = arith.addi %mul3A_2, %add3A_100 : i32
    %dma_start3A_102 = arith.constant 0 : i32
    %dma_start3A_103 = tpu.memref_slice %arg10[%add3A_101, %dma_start3A_102] : memref<320000x128xf32, #tpu.memory_space<hbm>> -> memref<80x128xf32, #tpu.memory_space<hbm>>
    %dma_start3A_104 = arith.constant 0 : i32
    %dma_start3A_105 = tpu.memref_slice %arg10[%add3A_101, %dma_start3A_104] : memref<320000x128xf32, #tpu.memory_space<hbm>> -> memref<80x128xf32, #tpu.memory_space<hbm>>
    tpu.enqueue_dma source(%arg17 : memref<80x128xf32, #tpu.memory_space<vmem>>) target(%dma_start3A_105 : memref<80x128xf32, #tpu.memory_space<hbm>>) target_semaphore(%arg34 : memref<!tpu.dma_semaphore, #tpu.memory_space<semaphore_mem>>)
    %dma_wait3A_106 = arith.constant 0 : i32
    %dma_wait3A_107 = arith.constant 0 : i32
    %dma_wait3A_108 = tpu.memref_slice %arg9[%dma_wait3A_106, %dma_wait3A_107] : memref<320000x128xf32, #tpu.memory_space<hbm>> -> memref<80x128xf32, #tpu.memory_space<hbm>>
    %dma_wait3A_109 = arith.constant 0 : i32
    %dma_wait3A_110 = arith.constant 0 : i32
    %dma_wait3A_111 = tpu.memref_slice %arg9[%dma_wait3A_109, %dma_wait3A_110] : memref<320000x128xf32, #tpu.memory_space<hbm>> -> memref<80x128xf32, #tpu.memory_space<hbm>>
    tpu.wait_dma2 semaphore(%arg31 : memref<!tpu.dma_semaphore, #tpu.memory_space<semaphore_mem>>) src(%arg14 : memref<80x128xf32, #tpu.memory_space<vmem>>) dst(%dma_wait3A_111 : memref<80x128xf32, #tpu.memory_space<hbm>>)
    %dma_start3A_112 = arith.constant 9680 : i32
    %dma_start3A_113 = tpu.memref_slice %arg13[%dma_start3A_112] : memref<10000xi32, #tpu.memory_space<vmem>> -> memref<80xi32, #tpu.memory_space<vmem>>
    %dma_start3A_114 = arith.constant 0 : i32
    %dma_start3A_115 = arith.constant 0 : i32
    %dma_start3A_116 = tpu.memref_slice %arg23[%dma_start3A_114, %dma_start3A_115] : memref<16x128xf32, #tpu.memory_space<vmem_shared>> -> memref<16x128xf32, #tpu.memory_space<vmem_shared>>
    tpu.enqueue_indirect_dma source(%dma_start3A_116 : memref<16x128xf32, #tpu.memory_space<vmem_shared>>) target(%arg14 : memref<80x128xf32, #tpu.memory_space<vmem>>) offsets(%dma_start3A_113 : memref<80xi32, #tpu.memory_space<vmem>>) semaphore(%arg25 : memref<!tpu.dma_semaphore, #tpu.memory_space<semaphore_mem>>)
    %dma_wait3A_117 = arith.constant 0 : i32
    %dma_wait3A_118 = arith.constant 0 : i32
    %dma_wait3A_119 = tpu.memref_slice %arg9[%dma_wait3A_117, %dma_wait3A_118] : memref<320000x128xf32, #tpu.memory_space<hbm>> -> memref<80x128xf32, #tpu.memory_space<hbm>>
    %dma_wait3A_120 = arith.constant 0 : i32
    %dma_wait3A_121 = arith.constant 0 : i32
    %dma_wait3A_122 = tpu.memref_slice %arg9[%dma_wait3A_120, %dma_wait3A_121] : memref<320000x128xf32, #tpu.memory_space<hbm>> -> memref<80x128xf32, #tpu.memory_space<hbm>>
    tpu.wait_dma2 semaphore(%arg29 : memref<!tpu.dma_semaphore, #tpu.memory_space<semaphore_mem>>) src(%dma_wait3A_122 : memref<80x128xf32, #tpu.memory_space<hbm>>) dst(%arg18 : memref<80x128xf32, #tpu.memory_space<vmem>>)
    %add3A_123 = arith.constant 9520 : i32
    %add3A_124 = arith.addi %mul3A_2, %add3A_123 : i32
    %dma_start3A_125 = arith.constant 0 : i32
    %dma_start3A_126 = tpu.memref_slice %arg10[%add3A_124, %dma_start3A_125] : memref<320000x128xf32, #tpu.memory_space<hbm>> -> memref<80x128xf32, #tpu.memory_space<hbm>>
    %dma_start3A_127 = arith.constant 0 : i32
    %dma_start3A_128 = tpu.memref_slice %arg10[%add3A_124, %dma_start3A_127] : memref<320000x128xf32, #tpu.memory_space<hbm>> -> memref<80x128xf32, #tpu.memory_space<hbm>>
    tpu.enqueue_dma source(%arg18 : memref<80x128xf32, #tpu.memory_space<vmem>>) target(%dma_start3A_128 : memref<80x128xf32, #tpu.memory_space<hbm>>) target_semaphore(%arg35 : memref<!tpu.dma_semaphore, #tpu.memory_space<semaphore_mem>>)
    %dma_wait3A_129 = arith.constant 0 : i32
    %dma_wait3A_130 = arith.constant 0 : i32
    %dma_wait3A_131 = tpu.memref_slice %arg9[%dma_wait3A_129, %dma_wait3A_130] : memref<320000x128xf32, #tpu.memory_space<hbm>> -> memref<80x128xf32, #tpu.memory_space<hbm>>
    %dma_wait3A_132 = arith.constant 0 : i32
    %dma_wait3A_133 = arith.constant 0 : i32
    %dma_wait3A_134 = tpu.memref_slice %arg9[%dma_wait3A_132, %dma_wait3A_133] : memref<320000x128xf32, #tpu.memory_space<hbm>> -> memref<80x128xf32, #tpu.memory_space<hbm>>
    tpu.wait_dma2 semaphore(%arg32 : memref<!tpu.dma_semaphore, #tpu.memory_space<semaphore_mem>>) src(%arg15 : memref<80x128xf32, #tpu.memory_space<vmem>>) dst(%dma_wait3A_134 : memref<80x128xf32, #tpu.memory_space<hbm>>)
    %dma_start3A_135 = arith.constant 9760 : i32
    %dma_start3A_136 = tpu.memref_slice %arg13[%dma_start3A_135] : memref<10000xi32, #tpu.memory_space<vmem>> -> memref<80xi32, #tpu.memory_space<vmem>>
    %dma_start3A_137 = arith.constant 0 : i32
    %dma_start3A_138 = arith.constant 0 : i32
    %dma_start3A_139 = tpu.memref_slice %arg24[%dma_start3A_137, %dma_start3A_138] : memref<16x128xf32, #tpu.memory_space<vmem_shared>> -> memref<16x128xf32, #tpu.memory_space<vmem_shared>>
    tpu.enqueue_indirect_dma source(%dma_start3A_139 : memref<16x128xf32, #tpu.memory_space<vmem_shared>>) target(%arg15 : memref<80x128xf32, #tpu.memory_space<vmem>>) offsets(%dma_start3A_136 : memref<80xi32, #tpu.memory_space<vmem>>) semaphore(%arg26 : memref<!tpu.dma_semaphore, #tpu.memory_space<semaphore_mem>>)
    %dma_wait3A_140 = arith.constant 0 : i32
    %dma_wait3A_141 = arith.constant 0 : i32
    %dma_wait3A_142 = tpu.memref_slice %arg9[%dma_wait3A_140, %dma_wait3A_141] : memref<320000x128xf32, #tpu.memory_space<hbm>> -> memref<80x128xf32, #tpu.memory_space<hbm>>
    %dma_wait3A_143 = arith.constant 0 : i32
    %dma_wait3A_144 = arith.constant 0 : i32
    %dma_wait3A_145 = tpu.memref_slice %arg9[%dma_wait3A_143, %dma_wait3A_144] : memref<320000x128xf32, #tpu.memory_space<hbm>> -> memref<80x128xf32, #tpu.memory_space<hbm>>
    tpu.wait_dma2 semaphore(%arg30 : memref<!tpu.dma_semaphore, #tpu.memory_space<semaphore_mem>>) src(%dma_wait3A_145 : memref<80x128xf32, #tpu.memory_space<hbm>>) dst(%arg19 : memref<80x128xf32, #tpu.memory_space<vmem>>)
    %add3A_146 = arith.constant 9600 : i32
    %add3A_147 = arith.addi %mul3A_2, %add3A_146 : i32
    %dma_start3A_148 = arith.constant 0 : i32
    %dma_start3A_149 = tpu.memref_slice %arg10[%add3A_147, %dma_start3A_148] : memref<320000x128xf32, #tpu.memory_space<hbm>> -> memref<80x128xf32, #tpu.memory_space<hbm>>
    %dma_start3A_150 = arith.constant 0 : i32
    %dma_start3A_151 = tpu.memref_slice %arg10[%add3A_147, %dma_start3A_150] : memref<320000x128xf32, #tpu.memory_space<hbm>> -> memref<80x128xf32, #tpu.memory_space<hbm>>
    tpu.enqueue_dma source(%arg19 : memref<80x128xf32, #tpu.memory_space<vmem>>) target(%dma_start3A_151 : memref<80x128xf32, #tpu.memory_space<hbm>>) target_semaphore(%arg36 : memref<!tpu.dma_semaphore, #tpu.memory_space<semaphore_mem>>)
    %dma_wait3A_152 = arith.constant 0 : i32
    %dma_wait3A_153 = arith.constant 0 : i32
    %dma_wait3A_154 = tpu.memref_slice %arg9[%dma_wait3A_152, %dma_wait3A_153] : memref<320000x128xf32, #tpu.memory_space<hbm>> -> memref<80x128xf32, #tpu.memory_space<hbm>>
    %dma_wait3A_155 = arith.constant 0 : i32
    %dma_wait3A_156 = arith.constant 0 : i32
    %dma_wait3A_157 = tpu.memref_slice %arg9[%dma_wait3A_155, %dma_wait3A_156] : memref<320000x128xf32, #tpu.memory_space<hbm>> -> memref<80x128xf32, #tpu.memory_space<hbm>>
    tpu.wait_dma2 semaphore(%arg33 : memref<!tpu.dma_semaphore, #tpu.memory_space<semaphore_mem>>) src(%arg16 : memref<80x128xf32, #tpu.memory_space<vmem>>) dst(%dma_wait3A_157 : memref<80x128xf32, #tpu.memory_space<hbm>>)
    %dma_start3A_158 = arith.constant 9840 : i32
    %dma_start3A_159 = tpu.memref_slice %arg13[%dma_start3A_158] : memref<10000xi32, #tpu.memory_space<vmem>> -> memref<80xi32, #tpu.memory_space<vmem>>
    %dma_start3A_160 = arith.constant 0 : i32
    %dma_start3A_161 = arith.constant 0 : i32
    %dma_start3A_162 = tpu.memref_slice %arg23[%dma_start3A_160, %dma_start3A_161] : memref<16x128xf32, #tpu.memory_space<vmem_shared>> -> memref<16x128xf32, #tpu.memory_space<vmem_shared>>
    tpu.enqueue_indirect_dma source(%dma_start3A_162 : memref<16x128xf32, #tpu.memory_space<vmem_shared>>) target(%arg16 : memref<80x128xf32, #tpu.memory_space<vmem>>) offsets(%dma_start3A_159 : memref<80xi32, #tpu.memory_space<vmem>>) semaphore(%arg27 : memref<!tpu.dma_semaphore, #tpu.memory_space<semaphore_mem>>)
    %dma_wait3A_163 = arith.constant 0 : i32
    %dma_wait3A_164 = arith.constant 0 : i32
    %dma_wait3A_165 = tpu.memref_slice %arg9[%dma_wait3A_163, %dma_wait3A_164] : memref<320000x128xf32, #tpu.memory_space<hbm>> -> memref<80x128xf32, #tpu.memory_space<hbm>>
    %dma_wait3A_166 = arith.constant 0 : i32
    %dma_wait3A_167 = arith.constant 0 : i32
    %dma_wait3A_168 = tpu.memref_slice %arg9[%dma_wait3A_166, %dma_wait3A_167] : memref<320000x128xf32, #tpu.memory_space<hbm>> -> memref<80x128xf32, #tpu.memory_space<hbm>>
    tpu.wait_dma2 semaphore(%arg25 : memref<!tpu.dma_semaphore, #tpu.memory_space<semaphore_mem>>) src(%dma_wait3A_168 : memref<80x128xf32, #tpu.memory_space<hbm>>) dst(%arg14 : memref<80x128xf32, #tpu.memory_space<vmem>>)
    %add3A_169 = arith.constant 9680 : i32
    %add3A_170 = arith.addi %mul3A_2, %add3A_169 : i32
    %dma_start3A_171 = arith.constant 0 : i32
    %dma_start3A_172 = tpu.memref_slice %arg10[%add3A_170, %dma_start3A_171] : memref<320000x128xf32, #tpu.memory_space<hbm>> -> memref<80x128xf32, #tpu.memory_space<hbm>>
    %dma_start3A_173 = arith.constant 0 : i32
    %dma_start3A_174 = tpu.memref_slice %arg10[%add3A_170, %dma_start3A_173] : memref<320000x128xf32, #tpu.memory_space<hbm>> -> memref<80x128xf32, #tpu.memory_space<hbm>>
    tpu.enqueue_dma source(%arg14 : memref<80x128xf32, #tpu.memory_space<vmem>>) target(%dma_start3A_174 : memref<80x128xf32, #tpu.memory_space<hbm>>) target_semaphore(%arg31 : memref<!tpu.dma_semaphore, #tpu.memory_space<semaphore_mem>>)
    %dma_wait3A_175 = arith.constant 0 : i32
    %dma_wait3A_176 = arith.constant 0 : i32
    %dma_wait3A_177 = tpu.memref_slice %arg9[%dma_wait3A_175, %dma_wait3A_176] : memref<320000x128xf32, #tpu.memory_space<hbm>> -> memref<80x128xf32, #tpu.memory_space<hbm>>
    %dma_wait3A_178 = arith.constant 0 : i32
    %dma_wait3A_179 = arith.constant 0 : i32
    %dma_wait3A_180 = tpu.memref_slice %arg9[%dma_wait3A_178, %dma_wait3A_179] : memref<320000x128xf32, #tpu.memory_space<hbm>> -> memref<80x128xf32, #tpu.memory_space<hbm>>
    tpu.wait_dma2 semaphore(%arg34 : memref<!tpu.dma_semaphore, #tpu.memory_space<semaphore_mem>>) src(%arg17 : memref<80x128xf32, #tpu.memory_space<vmem>>) dst(%dma_wait3A_180 : memref<80x128xf32, #tpu.memory_space<hbm>>)
    %dma_start3A_181 = arith.constant 9920 : i32
    %dma_start3A_182 = tpu.memref_slice %arg13[%dma_start3A_181] : memref<10000xi32, #tpu.memory_space<vmem>> -> memref<80xi32, #tpu.memory_space<vmem>>
    %dma_start3A_183 = arith.constant 0 : i32
    %dma_start3A_184 = arith.constant 0 : i32
    %dma_start3A_185 = tpu.memref_slice %arg24[%dma_start3A_183, %dma_start3A_184] : memref<16x128xf32, #tpu.memory_space<vmem_shared>> -> memref<16x128xf32, #tpu.memory_space<vmem_shared>>
    tpu.enqueue_indirect_dma source(%dma_start3A_185 : memref<16x128xf32, #tpu.memory_space<vmem_shared>>) target(%arg17 : memref<80x128xf32, #tpu.memory_space<vmem>>) offsets(%dma_start3A_182 : memref<80xi32, #tpu.memory_space<vmem>>) semaphore(%arg28 : memref<!tpu.dma_semaphore, #tpu.memory_space<semaphore_mem>>)
    %dma_wait3A_186 = arith.constant 0 : i32
    %dma_wait3A_187 = arith.constant 0 : i32
    %dma_wait3A_188 = tpu.memref_slice %arg9[%dma_wait3A_186, %dma_wait3A_187] : memref<320000x128xf32, #tpu.memory_space<hbm>> -> memref<80x128xf32, #tpu.memory_space<hbm>>
    %dma_wait3A_189 = arith.constant 0 : i32
    %dma_wait3A_190 = arith.constant 0 : i32
    %dma_wait3A_191 = tpu.memref_slice %arg9[%dma_wait3A_189, %dma_wait3A_190] : memref<320000x128xf32, #tpu.memory_space<hbm>> -> memref<80x128xf32, #tpu.memory_space<hbm>>
    tpu.wait_dma2 semaphore(%arg26 : memref<!tpu.dma_semaphore, #tpu.memory_space<semaphore_mem>>) src(%dma_wait3A_191 : memref<80x128xf32, #tpu.memory_space<hbm>>) dst(%arg15 : memref<80x128xf32, #tpu.memory_space<vmem>>)
    %add3A_192 = arith.constant 9760 : i32
    %add3A_193 = arith.addi %mul3A_2, %add3A_192 : i32
    %dma_start3A_194 = arith.constant 0 : i32
    %dma_start3A_195 = tpu.memref_slice %arg10[%add3A_193, %dma_start3A_194] : memref<320000x128xf32, #tpu.memory_space<hbm>> -> memref<80x128xf32, #tpu.memory_space<hbm>>
    %dma_start3A_196 = arith.constant 0 : i32
    %dma_start3A_197 = tpu.memref_slice %arg10[%add3A_193, %dma_start3A_196] : memref<320000x128xf32, #tpu.memory_space<hbm>> -> memref<80x128xf32, #tpu.memory_space<hbm>>
    tpu.enqueue_dma source(%arg15 : memref<80x128xf32, #tpu.memory_space<vmem>>) target(%dma_start3A_197 : memref<80x128xf32, #tpu.memory_space<hbm>>) target_semaphore(%arg32 : memref<!tpu.dma_semaphore, #tpu.memory_space<semaphore_mem>>)
    %dma_wait3A_198 = arith.constant 0 : i32
    %dma_wait3A_199 = arith.constant 0 : i32
    %dma_wait3A_200 = tpu.memref_slice %arg9[%dma_wait3A_198, %dma_wait3A_199] : memref<320000x128xf32, #tpu.memory_space<hbm>> -> memref<80x128xf32, #tpu.memory_space<hbm>>
    %dma_wait3A_201 = arith.constant 0 : i32
    %dma_wait3A_202 = arith.constant 0 : i32
    %dma_wait3A_203 = tpu.memref_slice %arg9[%dma_wait3A_201, %dma_wait3A_202] : memref<320000x128xf32, #tpu.memory_space<hbm>> -> memref<80x128xf32, #tpu.memory_space<hbm>>
    tpu.wait_dma2 semaphore(%arg35 : memref<!tpu.dma_semaphore, #tpu.memory_space<semaphore_mem>>) src(%arg18 : memref<80x128xf32, #tpu.memory_space<vmem>>) dst(%dma_wait3A_203 : memref<80x128xf32, #tpu.memory_space<hbm>>)
    %convert_element_type3A_204 = arith.extui %lt3A_7 : i1 to i32
    %cond3A_205 = arith.constant 0 : i32
    %cond3A_206 = arith.cmpi ne, %convert_element_type3A_204, %cond3A_205 : i32
    scf.if %cond3A_206 {
      %dma_start3A_268 = arith.constant 0 : i32
      %dma_start3A_269 = tpu.memref_slice %arg11[%dma_start3A_268] : memref<400xi32, #tpu.memory_space<vmem>> -> memref<80xi32, #tpu.memory_space<vmem>>
      %dma_start3A_270 = arith.constant 0 : i32
      %dma_start3A_271 = arith.constant 0 : i32
      %dma_start3A_272 = tpu.memref_slice %arg20[%dma_start3A_270, %dma_start3A_271] : memref<32x128xf32, #tpu.memory_space<vmem_shared>> -> memref<32x128xf32, #tpu.memory_space<vmem_shared>>
      tpu.enqueue_indirect_dma source(%dma_start3A_272 : memref<32x128xf32, #tpu.memory_space<vmem_shared>>) target(%arg18 : memref<80x128xf32, #tpu.memory_space<vmem>>) offsets(%dma_start3A_269 : memref<80xi32, #tpu.memory_space<vmem>>) semaphore(%arg29 : memref<!tpu.dma_semaphore, #tpu.memory_space<semaphore_mem>>)
    } else {
    }
    %dma_wait3A_207 = arith.constant 0 : i32
    %dma_wait3A_208 = arith.constant 0 : i32
    %dma_wait3A_209 = tpu.memref_slice %arg9[%dma_wait3A_207, %dma_wait3A_208] : memref<320000x128xf32, #tpu.memory_space<hbm>> -> memref<80x128xf32, #tpu.memory_space<hbm>>
    %dma_wait3A_210 = arith.constant 0 : i32
    %dma_wait3A_211 = arith.constant 0 : i32
    %dma_wait3A_212 = tpu.memref_slice %arg9[%dma_wait3A_210, %dma_wait3A_211] : memref<320000x128xf32, #tpu.memory_space<hbm>> -> memref<80x128xf32, #tpu.memory_space<hbm>>
    tpu.wait_dma2 semaphore(%arg27 : memref<!tpu.dma_semaphore, #tpu.memory_space<semaphore_mem>>) src(%dma_wait3A_212 : memref<80x128xf32, #tpu.memory_space<hbm>>) dst(%arg16 : memref<80x128xf32, #tpu.memory_space<vmem>>)
    %add3A_213 = arith.constant 9840 : i32
    %add3A_214 = arith.addi %mul3A_2, %add3A_213 : i32
    %dma_start3A_215 = arith.constant 0 : i32
    %dma_start3A_216 = tpu.memref_slice %arg10[%add3A_214, %dma_start3A_215] : memref<320000x128xf32, #tpu.memory_space<hbm>> -> memref<80x128xf32, #tpu.memory_space<hbm>>
    %dma_start3A_217 = arith.constant 0 : i32
    %dma_start3A_218 = tpu.memref_slice %arg10[%add3A_214, %dma_start3A_217] : memref<320000x128xf32, #tpu.memory_space<hbm>> -> memref<80x128xf32, #tpu.memory_space<hbm>>
    tpu.enqueue_dma source(%arg16 : memref<80x128xf32, #tpu.memory_space<vmem>>) target(%dma_start3A_218 : memref<80x128xf32, #tpu.memory_space<hbm>>) target_semaphore(%arg33 : memref<!tpu.dma_semaphore, #tpu.memory_space<semaphore_mem>>)
    %dma_wait3A_219 = arith.constant 0 : i32
    %dma_wait3A_220 = arith.constant 0 : i32
    %dma_wait3A_221 = tpu.memref_slice %arg9[%dma_wait3A_219, %dma_wait3A_220] : memref<320000x128xf32, #tpu.memory_space<hbm>> -> memref<80x128xf32, #tpu.memory_space<hbm>>
    %dma_wait3A_222 = arith.constant 0 : i32
    %dma_wait3A_223 = arith.constant 0 : i32
    %dma_wait3A_224 = tpu.memref_slice %arg9[%dma_wait3A_222, %dma_wait3A_223] : memref<320000x128xf32, #tpu.memory_space<hbm>> -> memref<80x128xf32, #tpu.memory_space<hbm>>
    tpu.wait_dma2 semaphore(%arg36 : memref<!tpu.dma_semaphore, #tpu.memory_space<semaphore_mem>>) src(%arg19 : memref<80x128xf32, #tpu.memory_space<vmem>>) dst(%dma_wait3A_224 : memref<80x128xf32, #tpu.memory_space<hbm>>)
    %convert_element_type3A_225 = arith.extui %lt3A_7 : i1 to i32
    %cond3A_226 = arith.constant 0 : i32
    %cond3A_227 = arith.cmpi ne, %convert_element_type3A_225, %cond3A_226 : i32
    scf.if %cond3A_227 {
      %dma_start3A_268 = arith.constant 80 : i32
      %dma_start3A_269 = tpu.memref_slice %arg11[%dma_start3A_268] : memref<400xi32, #tpu.memory_space<vmem>> -> memref<80xi32, #tpu.memory_space<vmem>>
      %dma_start3A_270 = arith.constant 0 : i32
      %dma_start3A_271 = arith.constant 0 : i32
      %dma_start3A_272 = tpu.memref_slice %arg20[%dma_start3A_270, %dma_start3A_271] : memref<32x128xf32, #tpu.memory_space<vmem_shared>> -> memref<32x128xf32, #tpu.memory_space<vmem_shared>>
      tpu.enqueue_indirect_dma source(%dma_start3A_272 : memref<32x128xf32, #tpu.memory_space<vmem_shared>>) target(%arg19 : memref<80x128xf32, #tpu.memory_space<vmem>>) offsets(%dma_start3A_269 : memref<80xi32, #tpu.memory_space<vmem>>) semaphore(%arg30 : memref<!tpu.dma_semaphore, #tpu.memory_space<semaphore_mem>>)
    } else {
    }
    %dma_wait3A_228 = arith.constant 0 : i32
    %dma_wait3A_229 = arith.constant 0 : i32
    %dma_wait3A_230 = tpu.memref_slice %arg9[%dma_wait3A_228, %dma_wait3A_229] : memref<320000x128xf32, #tpu.memory_space<hbm>> -> memref<80x128xf32, #tpu.memory_space<hbm>>
    %dma_wait3A_231 = arith.constant 0 : i32
    %dma_wait3A_232 = arith.constant 0 : i32
    %dma_wait3A_233 = tpu.memref_slice %arg9[%dma_wait3A_231, %dma_wait3A_232] : memref<320000x128xf32, #tpu.memory_space<hbm>> -> memref<80x128xf32, #tpu.memory_space<hbm>>
    tpu.wait_dma2 semaphore(%arg28 : memref<!tpu.dma_semaphore, #tpu.memory_space<semaphore_mem>>) src(%dma_wait3A_233 : memref<80x128xf32, #tpu.memory_space<hbm>>) dst(%arg17 : memref<80x128xf32, #tpu.memory_space<vmem>>)
    %add3A_234 = arith.constant 9920 : i32
    %add3A_235 = arith.addi %mul3A_2, %add3A_234 : i32
    %dma_start3A_236 = arith.constant 0 : i32
    %dma_start3A_237 = tpu.memref_slice %arg10[%add3A_235, %dma_start3A_236] : memref<320000x128xf32, #tpu.memory_space<hbm>> -> memref<80x128xf32, #tpu.memory_space<hbm>>
    %dma_start3A_238 = arith.constant 0 : i32
    %dma_start3A_239 = tpu.memref_slice %arg10[%add3A_235, %dma_start3A_238] : memref<320000x128xf32, #tpu.memory_space<hbm>> -> memref<80x128xf32, #tpu.memory_space<hbm>>
    tpu.enqueue_dma source(%arg17 : memref<80x128xf32, #tpu.memory_space<vmem>>) target(%dma_start3A_239 : memref<80x128xf32, #tpu.memory_space<hbm>>) target_semaphore(%arg34 : memref<!tpu.dma_semaphore, #tpu.memory_space<semaphore_mem>>)
    %dma_wait3A_240 = arith.constant 0 : i32
    %dma_wait3A_241 = arith.constant 0 : i32
    %dma_wait3A_242 = tpu.memref_slice %arg9[%dma_wait3A_240, %dma_wait3A_241] : memref<320000x128xf32, #tpu.memory_space<hbm>> -> memref<80x128xf32, #tpu.memory_space<hbm>>
    %dma_wait3A_243 = arith.constant 0 : i32
    %dma_wait3A_244 = arith.constant 0 : i32
    %dma_wait3A_245 = tpu.memref_slice %arg9[%dma_wait3A_243, %dma_wait3A_244] : memref<320000x128xf32, #tpu.memory_space<hbm>> -> memref<80x128xf32, #tpu.memory_space<hbm>>
    tpu.wait_dma2 semaphore(%arg31 : memref<!tpu.dma_semaphore, #tpu.memory_space<semaphore_mem>>) src(%arg14 : memref<80x128xf32, #tpu.memory_space<vmem>>) dst(%dma_wait3A_245 : memref<80x128xf32, #tpu.memory_space<hbm>>)
    %convert_element_type3A_246 = arith.extui %lt3A_7 : i1 to i32
    %cond3A_247 = arith.constant 0 : i32
    %cond3A_248 = arith.cmpi ne, %convert_element_type3A_246, %cond3A_247 : i32
    scf.if %cond3A_248 {
      %dma_start3A_268 = arith.constant 160 : i32
      %dma_start3A_269 = tpu.memref_slice %arg11[%dma_start3A_268] : memref<400xi32, #tpu.memory_space<vmem>> -> memref<80xi32, #tpu.memory_space<vmem>>
      %dma_start3A_270 = arith.constant 0 : i32
      %dma_start3A_271 = arith.constant 0 : i32
      %dma_start3A_272 = tpu.memref_slice %arg20[%dma_start3A_270, %dma_start3A_271] : memref<32x128xf32, #tpu.memory_space<vmem_shared>> -> memref<32x128xf32, #tpu.memory_space<vmem_shared>>
      tpu.enqueue_indirect_dma source(%dma_start3A_272 : memref<32x128xf32, #tpu.memory_space<vmem_shared>>) target(%arg14 : memref<80x128xf32, #tpu.memory_space<vmem>>) offsets(%dma_start3A_269 : memref<80xi32, #tpu.memory_space<vmem>>) semaphore(%arg25 : memref<!tpu.dma_semaphore, #tpu.memory_space<semaphore_mem>>)
    } else {
    }
    %convert_element_type3A_249 = arith.extui %lt3A_7 : i1 to i32
    %cond3A_250 = arith.constant 0 : i32
    %cond3A_251 = arith.cmpi ne, %convert_element_type3A_249, %cond3A_250 : i32
    scf.if %cond3A_251 {
      %dma_wait3A_268 = arith.constant 0 : i32
      %dma_wait3A_269 = arith.constant 0 : i32
      %dma_wait3A_270 = tpu.memref_slice %arg9[%dma_wait3A_268, %dma_wait3A_269] : memref<320000x128xf32, #tpu.memory_space<hbm>> -> memref<80x128xf32, #tpu.memory_space<hbm>>
      %dma_wait3A_271 = arith.constant 0 : i32
      %dma_wait3A_272 = arith.constant 0 : i32
      %dma_wait3A_273 = tpu.memref_slice %arg9[%dma_wait3A_271, %dma_wait3A_272] : memref<320000x128xf32, #tpu.memory_space<hbm>> -> memref<80x128xf32, #tpu.memory_space<hbm>>
      tpu.wait_dma2 semaphore(%arg29 : memref<!tpu.dma_semaphore, #tpu.memory_space<semaphore_mem>>) src(%dma_wait3A_273 : memref<80x128xf32, #tpu.memory_space<hbm>>) dst(%arg18 : memref<80x128xf32, #tpu.memory_space<vmem>>)
      %add3A_274 = arith.constant 0 : i32
      %add3A_275 = arith.addi %mul3A_6, %add3A_274 : i32
      %dma_start3A_276 = arith.constant 0 : i32
      %dma_start3A_277 = tpu.memref_slice %arg8[%add3A_275, %dma_start3A_276] : memref<10000x128xf32, #tpu.memory_space<hbm>> -> memref<80x128xf32, #tpu.memory_space<hbm>>
      %dma_start3A_278 = arith.constant 0 : i32
      %dma_start3A_279 = tpu.memref_slice %arg8[%add3A_275, %dma_start3A_278] : memref<10000x128xf32, #tpu.memory_space<hbm>> -> memref<80x128xf32, #tpu.memory_space<hbm>>
      tpu.enqueue_dma source(%arg18 : memref<80x128xf32, #tpu.memory_space<vmem>>) target(%dma_start3A_279 : memref<80x128xf32, #tpu.memory_space<hbm>>) target_semaphore(%arg35 : memref<!tpu.dma_semaphore, #tpu.memory_space<semaphore_mem>>)
      %dma_wait3A_280 = arith.constant 0 : i32
      %dma_wait3A_281 = arith.constant 0 : i32
      %dma_wait3A_282 = tpu.memref_slice %arg9[%dma_wait3A_280, %dma_wait3A_281] : memref<320000x128xf32, #tpu.memory_space<hbm>> -> memref<80x128xf32, #tpu.memory_space<hbm>>
      %dma_wait3A_283 = arith.constant 0 : i32
      %dma_wait3A_284 = arith.constant 0 : i32
      %dma_wait3A_285 = tpu.memref_slice %arg9[%dma_wait3A_283, %dma_wait3A_284] : memref<320000x128xf32, #tpu.memory_space<hbm>> -> memref<80x128xf32, #tpu.memory_space<hbm>>
      tpu.wait_dma2 semaphore(%arg32 : memref<!tpu.dma_semaphore, #tpu.memory_space<semaphore_mem>>) src(%arg15 : memref<80x128xf32, #tpu.memory_space<vmem>>) dst(%dma_wait3A_285 : memref<80x128xf32, #tpu.memory_space<hbm>>)
      %dma_start3A_286 = arith.constant 240 : i32
      %dma_start3A_287 = tpu.memref_slice %arg11[%dma_start3A_286] : memref<400xi32, #tpu.memory_space<vmem>> -> memref<80xi32, #tpu.memory_space<vmem>>
      %dma_start3A_288 = arith.constant 0 : i32
      %dma_start3A_289 = arith.constant 0 : i32
      %dma_start3A_290 = tpu.memref_slice %arg20[%dma_start3A_288, %dma_start3A_289] : memref<32x128xf32, #tpu.memory_space<vmem_shared>> -> memref<32x128xf32, #tpu.memory_space<vmem_shared>>
      tpu.enqueue_indirect_dma source(%dma_start3A_290 : memref<32x128xf32, #tpu.memory_space<vmem_shared>>) target(%arg15 : memref<80x128xf32, #tpu.memory_space<vmem>>) offsets(%dma_start3A_287 : memref<80xi32, #tpu.memory_space<vmem>>) semaphore(%arg26 : memref<!tpu.dma_semaphore, #tpu.memory_space<semaphore_mem>>)
      %dma_wait3A_291 = arith.constant 0 : i32
      %dma_wait3A_292 = arith.constant 0 : i32
      %dma_wait3A_293 = tpu.memref_slice %arg9[%dma_wait3A_291, %dma_wait3A_292] : memref<320000x128xf32, #tpu.memory_space<hbm>> -> memref<80x128xf32, #tpu.memory_space<hbm>>
      %dma_wait3A_294 = arith.constant 0 : i32
      %dma_wait3A_295 = arith.constant 0 : i32
      %dma_wait3A_296 = tpu.memref_slice %arg9[%dma_wait3A_294, %dma_wait3A_295] : memref<320000x128xf32, #tpu.memory_space<hbm>> -> memref<80x128xf32, #tpu.memory_space<hbm>>
      tpu.wait_dma2 semaphore(%arg30 : memref<!tpu.dma_semaphore, #tpu.memory_space<semaphore_mem>>) src(%dma_wait3A_296 : memref<80x128xf32, #tpu.memory_space<hbm>>) dst(%arg19 : memref<80x128xf32, #tpu.memory_space<vmem>>)
      %add3A_297 = arith.constant 80 : i32
      %add3A_298 = arith.addi %mul3A_6, %add3A_297 : i32
      %dma_start3A_299 = arith.constant 0 : i32
      %dma_start3A_300 = tpu.memref_slice %arg8[%add3A_298, %dma_start3A_299] : memref<10000x128xf32, #tpu.memory_space<hbm>> -> memref<80x128xf32, #tpu.memory_space<hbm>>
      %dma_start3A_301 = arith.constant 0 : i32
      %dma_start3A_302 = tpu.memref_slice %arg8[%add3A_298, %dma_start3A_301] : memref<10000x128xf32, #tpu.memory_space<hbm>> -> memref<80x128xf32, #tpu.memory_space<hbm>>
      tpu.enqueue_dma source(%arg19 : memref<80x128xf32, #tpu.memory_space<vmem>>) target(%dma_start3A_302 : memref<80x128xf32, #tpu.memory_space<hbm>>) target_semaphore(%arg36 : memref<!tpu.dma_semaphore, #tpu.memory_space<semaphore_mem>>)
      %dma_wait3A_303 = arith.constant 0 : i32
      %dma_wait3A_304 = arith.constant 0 : i32
      %dma_wait3A_305 = tpu.memref_slice %arg9[%dma_wait3A_303, %dma_wait3A_304] : memref<320000x128xf32, #tpu.memory_space<hbm>> -> memref<80x128xf32, #tpu.memory_space<hbm>>
      %dma_wait3A_306 = arith.constant 0 : i32
      %dma_wait3A_307 = arith.constant 0 : i32
      %dma_wait3A_308 = tpu.memref_slice %arg9[%dma_wait3A_306, %dma_wait3A_307] : memref<320000x128xf32, #tpu.memory_space<hbm>> -> memref<80x128xf32, #tpu.memory_space<hbm>>
      tpu.wait_dma2 semaphore(%arg33 : memref<!tpu.dma_semaphore, #tpu.memory_space<semaphore_mem>>) src(%arg16 : memref<80x128xf32, #tpu.memory_space<vmem>>) dst(%dma_wait3A_308 : memref<80x128xf32, #tpu.memory_space<hbm>>)
      %dma_start3A_309 = arith.constant 320 : i32
      %dma_start3A_310 = tpu.memref_slice %arg11[%dma_start3A_309] : memref<400xi32, #tpu.memory_space<vmem>> -> memref<80xi32, #tpu.memory_space<vmem>>
      %dma_start3A_311 = arith.constant 0 : i32
      %dma_start3A_312 = arith.constant 0 : i32
      %dma_start3A_313 = tpu.memref_slice %arg20[%dma_start3A_311, %dma_start3A_312] : memref<32x128xf32, #tpu.memory_space<vmem_shared>> -> memref<32x128xf32, #tpu.memory_space<vmem_shared>>
      tpu.enqueue_indirect_dma source(%dma_start3A_313 : memref<32x128xf32, #tpu.memory_space<vmem_shared>>) target(%arg16 : memref<80x128xf32, #tpu.memory_space<vmem>>) offsets(%dma_start3A_310 : memref<80xi32, #tpu.memory_space<vmem>>) semaphore(%arg27 : memref<!tpu.dma_semaphore, #tpu.memory_space<semaphore_mem>>)
      %dma_wait3A_314 = arith.constant 0 : i32
      %dma_wait3A_315 = arith.constant 0 : i32
      %dma_wait3A_316 = tpu.memref_slice %arg9[%dma_wait3A_314, %dma_wait3A_315] : memref<320000x128xf32, #tpu.memory_space<hbm>> -> memref<80x128xf32, #tpu.memory_space<hbm>>
      %dma_wait3A_317 = arith.constant 0 : i32
      %dma_wait3A_318 = arith.constant 0 : i32
      %dma_wait3A_319 = tpu.memref_slice %arg9[%dma_wait3A_317, %dma_wait3A_318] : memref<320000x128xf32, #tpu.memory_space<hbm>> -> memref<80x128xf32, #tpu.memory_space<hbm>>
      tpu.wait_dma2 semaphore(%arg25 : memref<!tpu.dma_semaphore, #tpu.memory_space<semaphore_mem>>) src(%dma_wait3A_319 : memref<80x128xf32, #tpu.memory_space<hbm>>) dst(%arg14 : memref<80x128xf32, #tpu.memory_space<vmem>>)
      %add3A_320 = arith.constant 160 : i32
      %add3A_321 = arith.addi %mul3A_6, %add3A_320 : i32
      %dma_start3A_322 = arith.constant 0 : i32
      %dma_start3A_323 = tpu.memref_slice %arg8[%add3A_321, %dma_start3A_322] : memref<10000x128xf32, #tpu.memory_space<hbm>> -> memref<80x128xf32, #tpu.memory_space<hbm>>
      %dma_start3A_324 = arith.constant 0 : i32
      %dma_start3A_325 = tpu.memref_slice %arg8[%add3A_321, %dma_start3A_324] : memref<10000x128xf32, #tpu.memory_space<hbm>> -> memref<80x128xf32, #tpu.memory_space<hbm>>
      tpu.enqueue_dma source(%arg14 : memref<80x128xf32, #tpu.memory_space<vmem>>) target(%dma_start3A_325 : memref<80x128xf32, #tpu.memory_space<hbm>>) target_semaphore(%arg31 : memref<!tpu.dma_semaphore, #tpu.memory_space<semaphore_mem>>)
      %dma_wait3A_326 = arith.constant 0 : i32
      %dma_wait3A_327 = arith.constant 0 : i32
      %dma_wait3A_328 = tpu.memref_slice %arg9[%dma_wait3A_326, %dma_wait3A_327] : memref<320000x128xf32, #tpu.memory_space<hbm>> -> memref<80x128xf32, #tpu.memory_space<hbm>>
      %dma_wait3A_329 = arith.constant 0 : i32
      %dma_wait3A_330 = arith.constant 0 : i32
      %dma_wait3A_331 = tpu.memref_slice %arg9[%dma_wait3A_329, %dma_wait3A_330] : memref<320000x128xf32, #tpu.memory_space<hbm>> -> memref<80x128xf32, #tpu.memory_space<hbm>>
      tpu.wait_dma2 semaphore(%arg34 : memref<!tpu.dma_semaphore, #tpu.memory_space<semaphore_mem>>) src(%arg17 : memref<80x128xf32, #tpu.memory_space<vmem>>) dst(%dma_wait3A_331 : memref<80x128xf32, #tpu.memory_space<hbm>>)
      %dma_wait3A_332 = arith.constant 0 : i32
      %dma_wait3A_333 = arith.constant 0 : i32
      %dma_wait3A_334 = tpu.memref_slice %arg9[%dma_wait3A_332, %dma_wait3A_333] : memref<320000x128xf32, #tpu.memory_space<hbm>> -> memref<80x128xf32, #tpu.memory_space<hbm>>
      %dma_wait3A_335 = arith.constant 0 : i32
      %dma_wait3A_336 = arith.constant 0 : i32
      %dma_wait3A_337 = tpu.memref_slice %arg9[%dma_wait3A_335, %dma_wait3A_336] : memref<320000x128xf32, #tpu.memory_space<hbm>> -> memref<80x128xf32, #tpu.memory_space<hbm>>
      tpu.wait_dma2 semaphore(%arg26 : memref<!tpu.dma_semaphore, #tpu.memory_space<semaphore_mem>>) src(%dma_wait3A_337 : memref<80x128xf32, #tpu.memory_space<hbm>>) dst(%arg15 : memref<80x128xf32, #tpu.memory_space<vmem>>)
      %add3A_338 = arith.constant 240 : i32
      %add3A_339 = arith.addi %mul3A_6, %add3A_338 : i32
      %dma_start3A_340 = arith.constant 0 : i32
      %dma_start3A_341 = tpu.memref_slice %arg8[%add3A_339, %dma_start3A_340] : memref<10000x128xf32, #tpu.memory_space<hbm>> -> memref<80x128xf32, #tpu.memory_space<hbm>>
      %dma_start3A_342 = arith.constant 0 : i32
      %dma_start3A_343 = tpu.memref_slice %arg8[%add3A_339, %dma_start3A_342] : memref<10000x128xf32, #tpu.memory_space<hbm>> -> memref<80x128xf32, #tpu.memory_space<hbm>>
      tpu.enqueue_dma source(%arg15 : memref<80x128xf32, #tpu.memory_space<vmem>>) target(%dma_start3A_343 : memref<80x128xf32, #tpu.memory_space<hbm>>) target_semaphore(%arg32 : memref<!tpu.dma_semaphore, #tpu.memory_space<semaphore_mem>>)
      %dma_wait3A_344 = arith.constant 0 : i32
      %dma_wait3A_345 = arith.constant 0 : i32
      %dma_wait3A_346 = tpu.memref_slice %arg9[%dma_wait3A_344, %dma_wait3A_345] : memref<320000x128xf32, #tpu.memory_space<hbm>> -> memref<80x128xf32, #tpu.memory_space<hbm>>
      %dma_wait3A_347 = arith.constant 0 : i32
      %dma_wait3A_348 = arith.constant 0 : i32
      %dma_wait3A_349 = tpu.memref_slice %arg9[%dma_wait3A_347, %dma_wait3A_348] : memref<320000x128xf32, #tpu.memory_space<hbm>> -> memref<80x128xf32, #tpu.memory_space<hbm>>
      tpu.wait_dma2 semaphore(%arg35 : memref<!tpu.dma_semaphore, #tpu.memory_space<semaphore_mem>>) src(%arg18 : memref<80x128xf32, #tpu.memory_space<vmem>>) dst(%dma_wait3A_349 : memref<80x128xf32, #tpu.memory_space<hbm>>)
      %dma_wait3A_350 = arith.constant 0 : i32
      %dma_wait3A_351 = arith.constant 0 : i32
      %dma_wait3A_352 = tpu.memref_slice %arg9[%dma_wait3A_350, %dma_wait3A_351] : memref<320000x128xf32, #tpu.memory_space<hbm>> -> memref<80x128xf32, #tpu.memory_space<hbm>>
      %dma_wait3A_353 = arith.constant 0 : i32
      %dma_wait3A_354 = arith.constant 0 : i32
      %dma_wait3A_355 = tpu.memref_slice %arg9[%dma_wait3A_353, %dma_wait3A_354] : memref<320000x128xf32, #tpu.memory_space<hbm>> -> memref<80x128xf32, #tpu.memory_space<hbm>>
      tpu.wait_dma2 semaphore(%arg27 : memref<!tpu.dma_semaphore, #tpu.memory_space<semaphore_mem>>) src(%dma_wait3A_355 : memref<80x128xf32, #tpu.memory_space<hbm>>) dst(%arg16 : memref<80x128xf32, #tpu.memory_space<vmem>>)
      %add3A_356 = arith.constant 320 : i32
      %add3A_357 = arith.addi %mul3A_6, %add3A_356 : i32
      %dma_start3A_358 = arith.constant 0 : i32
      %dma_start3A_359 = tpu.memref_slice %arg8[%add3A_357, %dma_start3A_358] : memref<10000x128xf32, #tpu.memory_space<hbm>> -> memref<80x128xf32, #tpu.memory_space<hbm>>
      %dma_start3A_360 = arith.constant 0 : i32
      %dma_start3A_361 = tpu.memref_slice %arg8[%add3A_357, %dma_start3A_360] : memref<10000x128xf32, #tpu.memory_space<hbm>> -> memref<80x128xf32, #tpu.memory_space<hbm>>
      tpu.enqueue_dma source(%arg16 : memref<80x128xf32, #tpu.memory_space<vmem>>) target(%dma_start3A_361 : memref<80x128xf32, #tpu.memory_space<hbm>>) target_semaphore(%arg33 : memref<!tpu.dma_semaphore, #tpu.memory_space<semaphore_mem>>)
      %dma_wait3A_362 = arith.constant 0 : i32
      %dma_wait3A_363 = arith.constant 0 : i32
      %dma_wait3A_364 = tpu.memref_slice %arg9[%dma_wait3A_362, %dma_wait3A_363] : memref<320000x128xf32, #tpu.memory_space<hbm>> -> memref<80x128xf32, #tpu.memory_space<hbm>>
      %dma_wait3A_365 = arith.constant 0 : i32
      %dma_wait3A_366 = arith.constant 0 : i32
      %dma_wait3A_367 = tpu.memref_slice %arg9[%dma_wait3A_365, %dma_wait3A_366] : memref<320000x128xf32, #tpu.memory_space<hbm>> -> memref<80x128xf32, #tpu.memory_space<hbm>>
      tpu.wait_dma2 semaphore(%arg36 : memref<!tpu.dma_semaphore, #tpu.memory_space<semaphore_mem>>) src(%arg19 : memref<80x128xf32, #tpu.memory_space<vmem>>) dst(%dma_wait3A_367 : memref<80x128xf32, #tpu.memory_space<hbm>>)
      %dma_wait3A_368 = arith.constant 0 : i32
      %dma_wait3A_369 = arith.constant 0 : i32
      %dma_wait3A_370 = tpu.memref_slice %arg9[%dma_wait3A_368, %dma_wait3A_369] : memref<320000x128xf32, #tpu.memory_space<hbm>> -> memref<80x128xf32, #tpu.memory_space<hbm>>
      %dma_wait3A_371 = arith.constant 0 : i32
      %dma_wait3A_372 = arith.constant 0 : i32
      %dma_wait3A_373 = tpu.memref_slice %arg9[%dma_wait3A_371, %dma_wait3A_372] : memref<320000x128xf32, #tpu.memory_space<hbm>> -> memref<80x128xf32, #tpu.memory_space<hbm>>
      tpu.wait_dma2 semaphore(%arg31 : memref<!tpu.dma_semaphore, #tpu.memory_space<semaphore_mem>>) src(%arg14 : memref<80x128xf32, #tpu.memory_space<vmem>>) dst(%dma_wait3A_373 : memref<80x128xf32, #tpu.memory_space<hbm>>)
    } else {
    }
    %dma_wait3A_252 = arith.constant 0 : i32
    %dma_wait3A_253 = arith.constant 0 : i32
    %dma_wait3A_254 = tpu.memref_slice %arg9[%dma_wait3A_252, %dma_wait3A_253] : memref<320000x128xf32, #tpu.memory_space<hbm>> -> memref<80x128xf32, #tpu.memory_space<hbm>>
    %dma_wait3A_255 = arith.constant 0 : i32
    %dma_wait3A_256 = arith.constant 0 : i32
    %dma_wait3A_257 = tpu.memref_slice %arg9[%dma_wait3A_255, %dma_wait3A_256] : memref<320000x128xf32, #tpu.memory_space<hbm>> -> memref<80x128xf32, #tpu.memory_space<hbm>>
    tpu.wait_dma2 semaphore(%arg32 : memref<!tpu.dma_semaphore, #tpu.memory_space<semaphore_mem>>) src(%arg15 : memref<80x128xf32, #tpu.memory_space<vmem>>) dst(%dma_wait3A_257 : memref<80x128xf32, #tpu.memory_space<hbm>>)
    %dma_wait3A_258 = arith.constant 0 : i32
    %dma_wait3A_259 = arith.constant 0 : i32
    %dma_wait3A_260 = tpu.memref_slice %arg9[%dma_wait3A_258, %dma_wait3A_259] : memref<320000x128xf32, #tpu.memory_space<hbm>> -> memref<80x128xf32, #tpu.memory_space<hbm>>
    %dma_wait3A_261 = arith.constant 0 : i32
    %dma_wait3A_262 = arith.constant 0 : i32
    %dma_wait3A_263 = tpu.memref_slice %arg9[%dma_wait3A_261, %dma_wait3A_262] : memref<320000x128xf32, #tpu.memory_space<hbm>> -> memref<80x128xf32, #tpu.memory_space<hbm>>
    tpu.wait_dma2 semaphore(%arg33 : memref<!tpu.dma_semaphore, #tpu.memory_space<semaphore_mem>>) src(%arg16 : memref<80x128xf32, #tpu.memory_space<vmem>>) dst(%dma_wait3A_263 : memref<80x128xf32, #tpu.memory_space<hbm>>)
    %not3A = arith.constant true
    %not3A_264 = arith.xori %lt3A_7, %not3A : i1
    %convert_element_type3A_265 = arith.extui %not3A_264 : i1 to i32
    %cond3A_266 = arith.constant 0 : i32
    %cond3A_267 = arith.cmpi ne, %convert_element_type3A_265, %cond3A_266 : i32
    scf.if %cond3A_267 {
      %dma_wait3A_268 = arith.constant 0 : i32
      %dma_wait3A_269 = arith.constant 0 : i32
      %dma_wait3A_270 = tpu.memref_slice %arg9[%dma_wait3A_268, %dma_wait3A_269] : memref<320000x128xf32, #tpu.memory_space<hbm>> -> memref<80x128xf32, #tpu.memory_space<hbm>>
      %dma_wait3A_271 = arith.constant 0 : i32
      %dma_wait3A_272 = arith.constant 0 : i32
      %dma_wait3A_273 = tpu.memref_slice %arg9[%dma_wait3A_271, %dma_wait3A_272] : memref<320000x128xf32, #tpu.memory_space<hbm>> -> memref<80x128xf32, #tpu.memory_space<hbm>>
      tpu.wait_dma2 semaphore(%arg34 : memref<!tpu.dma_semaphore, #tpu.memory_space<semaphore_mem>>) src(%arg17 : memref<80x128xf32, #tpu.memory_space<vmem>>) dst(%dma_wait3A_273 : memref<80x128xf32, #tpu.memory_space<hbm>>)
    } else {
    }
    return
  }
}

</mosaic_0001>

<sc_bundles>
// kernel: _encode.3.cloned.1.call-start
scs
__scs_entry_jumppad:
0x0: {  	(pc) =	sbr.rel $0x88, $3  }
0x1: {  	(tag) =	ssettag $0x0;
	lr =	simm.s32 $0x1  }
0x2: {  	[smem:$0x3F9B] =	sst lr;
	_ =	strace $0xD0000000  }
0x3: {  	_ = 	snop  }
0x4: {  	_ = 	snop  }
0x5: {  	_ = 	snop  }
0x6: {  	_ = 	snop  }
0x7: {  	_ = 	snop  }
__scs_overlays_trampoline_lowered:
0x8: {  	[smem:$0x3FAA] =	sst s0  }
0x9: {  	[smem:$0x3FAB] =	sst s1  }
0xa: {  	[smem:$0x3FAC] =	sst s2  }
0xb: {  	[smem:$0x3FAD] =	sst s3  }
0xc: {  	[smem:$0x3FAE] =	sst s4  }
0xd: {  	[smem:$0x3FAF] =	sst s5  }
0xe: {  	[smem:$0x3FB0] =	sst s6  }
0xf: {  	[smem:$0x3FB1] =	sst s7  }
0x10: {  	[smem:$0x3FB2] =	sst s8  }
0x11: {  	[smem:$0x3FB3] =	sst s9;
	s0 =	simm.s32 @!p0 $0x0  }
0x12: {  	s1 =	sld [smem:$0x3F99];
	s0 =	simm.s32 @p0 $0x1  }
0x13: {  	[smem:$0x3FB4] =	sst s0;
	s0 =	simm.s32 @!p1 $0x0  }
0x14: {  	s2 =	sld [smem:$0x3F98];
	s0 =	simm.s32 @p1 $0x1  }
0x15: {  	[smem:$0x3FB5] =	sst s0;
	s0 =	simm.s32 @!p2 $0x0  }
0x16: {  	s3 =	sld [smem:$0x3FDB];
	s0 =	simm.s32 @p2 $0x1  }
0x17: {  	s4 =	simm.s32 $0x1BF5;
	[smem:$0x3FB7] =	sst s0  }
0x18: {  	s0 =	sld [smem:$0x3F9A];
	_ =	swait.ge [sflag:s4], $0x0  }
0x19: {  	s7 =	sld [smem:$0x3F9B]  }
0x1a: {  	s8 =	sadd.s32 $0xFFFFE003, lr  }
0x1b: {  	s9 =	sadd.s32 $0xFFFFFEF7, lr;
	s5 =	simm.s32 $0xFFFFFFFF;
	p2 =	slt.u32 s8, $0xFFFFF086  }
0x1c: {  	p1 =	slt.u32 s9, $0xF7A;
	s5 =	simm.s32 @!p2 $0x0  }
0x1d: {  	s5 =	simm.s32 @p1 $0x1;
	p0 =	seq.s32 s7, s2  }
0x1e: {  	s7 =	smul.u32 @!p0 $0xF7A, s2;
	p2 =	seq.s32 @!p0 s5, $0x0  }
0x1f: {  	s9 =	smul.u32 $0xF7A, s1;
	s8 =	simm.s32 @!p0 $0x1BF5;
	p2 =	por !p2, p0  }
0x20: {  	[sflag:s8] =	ssyncset.s32 @!p0 $0xFFFFF086;
	s6 =	sadd.s32 @!p0 s3, s7;
	s7 =	simm.s32 @!p0 $0x108  }
0x21: {  	s3 =	sadd.s32 s3, s9;
	s6 =	sadd.s32 @!p0 $0x88, s6;
	s7 =	simm.s32 @p2 $0x1082  }
0x22: {  	[simem:s7], [sflag:s8] =	dma.local @!p0 [hbm:s6], $0xF7A  }
0x23: {  	s9 =	sor.u32 $0xD0000000, s2;
	s6 =	simm.s32 $0x108;
	_ =	swait.ge @!p0 [sflag:s8], $0x0  }
0x24: {  	s3 =	sadd.s32 $0x88, s3;
	s6 =	simm.s32 @!p1 $0x1082;
	[sflag:s4] =	ssyncset.s32 $0xFFFFF086  }
0x25: {  	[simem:s6], [sflag:s4] =	dma.local [hbm:s3], $0xF7A  }
0x26: {  	[smem:$0x3F9B] =	sst s1;
	(tag) =	ssettag s2;
	_ =	strace s9  }
0x27: {  	s1 =	sld [smem:$0x3FAB]  }
0x28: {  	s2 =	sld [smem:$0x3FAC]  }
0x29: {  	s4 =	sld [smem:$0x3FAE]  }
0x2a: {  	p0 =	seq.s32 s5, $0x0;
	s5 =	sld [smem:$0x3FAF]  }
0x2b: {  	s6 =	sld [smem:$0x3FB0]  }
0x2c: {  	s7 =	sld [smem:$0x3FB1]  }
0x2d: {  	s3 =	simm.s32 $0x108;
	s8 =	sld [smem:$0x3FB2]  }
0x2e: {  	s3 =	simm.s32 @!p0 $0x1082;
	s9 =	sld [smem:$0x3FB3]  }
0x2f: {  	lr =	sadd.s32 s0, s3;
	s0 =	sld [smem:$0x3FAA]  }
0x30: {  	s3 =	sld [smem:$0x3FAD]  }
0x31: {  	[smem:$0x3FB6] =	sst s10  }
0x32: {  	s10 =	sld [smem:$0x3FB4];
	_ =	sdelay $0x3  }
0x33: {  	p0 =	seq.s32 s10, $0x1;
	s10 =	sld [smem:$0x3FB6];
	_ =	sdelay $0x3  }
0x34: {  	[smem:$0x3FB6] =	sst s10  }
0x35: {  	s10 =	sld [smem:$0x3FB5];
	_ =	sdelay $0x3  }
0x36: {  	p1 =	seq.s32 s10, $0x1;
	s10 =	sld [smem:$0x3FB6];
	_ =	sdelay $0x3  }
0x37: {  	[smem:$0x3FB6] =	sst s10  }
0x38: {  	s10 =	sld [smem:$0x3FB7]  }
0x39: {  	_ = 	snop;
	(pc) =	sbr.ind lr, $3  }
0x3a: {  	_ = 	snop  }
0x3b: {  	_ = 	snop  }
0x3c: {  	p2 =	seq.s32 s10, $0x1;
	s10 =	sld [smem:$0x3FB6]  }
0x3d: {  	_ =	shalt  }
0x3e: {  	_ =	shalt  }
0x3f: {  	_ =	shalt  }
0x40: {  	_ =	shalt  }
0x41: {  	_ =	shalt  }
0x42: {  	_ =	shalt  }
0x43: {  	_ =	shalt  }
0x44: {  	_ =	shalt  }
0x45: {  	_ =	shalt  }
0x46: {  	_ =	shalt  }
0x47: {  	_ =	shalt  }
0x48: {  	_ =	shalt  }
0x49: {  	_ =	shalt  }
0x4a: {  	_ =	shalt  }
0x4b: {  	_ =	shalt  }
0x4c: {  	_ =	shalt  }
0x4d: {  	_ =	shalt  }
0x4e: {  	_ =	shalt  }
0x4f: {  	_ =	shalt  }
0x50: {  	_ =	shalt  }
0x51: {  	_ =	shalt  }
0x52: {  	_ =	shalt  }
0x53: {  	_ =	shalt  }
0x54: {  	_ =	shalt  }
0x55: {  	_ =	shalt  }
0x56: {  	_ =	shalt  }
0x57: {  	_ =	shalt  }
0x58: {  	_ =	shalt  }
0x59: {  	_ =	shalt  }
0x5a: {  	_ =	shalt  }
0x5b: {  	_ =	shalt  }
0x5c: {  	_ =	shalt  }
0x5d: {  	_ =	shalt  }
0x5e: {  	_ =	shalt  }
0x5f: {  	_ =	shalt  }
0x60: {  	_ =	shalt  }
0x61: {  	_ =	shalt  }
0x62: {  	_ =	shalt  }
0x63: {  	_ =	shalt  }
0x64: {  	_ =	shalt  }
0x65: {  	_ =	shalt  }
0x66: {  	_ =	shalt  }
0x67: {  	_ =	shalt  }
0x68: {  	_ =	shalt  }
0x69: {  	_ =	shalt  }
0x6a: {  	_ =	shalt  }
0x6b: {  	_ =	shalt  }
0x6c: {  	_ =	shalt  }
0x6d: {  	_ =	shalt  }
0x6e: {  	_ =	shalt  }
0x6f: {  	_ =	shalt  }
0x70: {  	_ =	shalt  }
0x71: {  	_ =	shalt  }
0x72: {  	_ =	shalt  }
0x73: {  	_ =	shalt  }
0x74: {  	_ =	shalt  }
0x75: {  	_ =	shalt  }
0x76: {  	_ =	shalt  }
0x77: {  	_ =	shalt  }
0x78: {  	_ =	shalt  }
0x79: {  	_ =	shalt  }
0x7a: {  	_ =	shalt  }
0x7b: {  	_ =	shalt  }
0x7c: {  	_ =	shalt  }
0x7d: {  	_ =	shalt  }
0x7e: {  	_ =	shalt  }
0x7f: {  	_ =	shalt  }
0x80: {  	_ =	shalt  }
0x81: {  	_ =	shalt  }
0x82: {  	_ =	shalt  }
0x83: {  	_ =	shalt  }
0x84: {  	_ =	shalt  }
0x85: {  	_ =	shalt  }
0x86: {  	_ =	shalt  }
0x87: {  	_ =	shalt  }
.Lfunc_end0:
.L_simem_size_0:
called_computation_lowered:
.L_overlay_start_0:
0x88: {  	s2 =	sld [smem:$0x3FD9]  }
0x89: {  	s3 =	sld [smem:$0x3FFE];
	_ =	sdelay $0x1  }
0x8a: {  	s1 =	srdreg.scid  }
0x8b: {  	s0 =	sand.u32 $0x1, s1  }
0x8c: {  	s28 =	sshll.u32 s0, $0xA;
	s2 =	sadd.s32 s3, s2  }
0x8d: {  	s2 =	sadd.s32 s2, s28  }
0x8e: {  	[smem:$0x3FC2] =	sst s2  }
0x8f: {  	_ = 	snop  }
0x90: {  	s2 =	sld [smem:$0x3FC9]  }
0x91: {  	s3 =	sld [smem:$0x3FC8]  }
0x92: {  	s4 =	sld [smem:$0x3FC7]  }
0x93: {  	s8 =	sld [smem:$0x3FD0]  }
0x94: {  	s5 =	sld [smem:$0x3FC6]  }
0x95: {  	s6 =	sld [smem:$0x3FC5]  }
0x96: {  	s10 =	simm.s32 $0xA;
	s9 =	simm.s32 $0x10;
	s7 =	sld [smem:$0x3FC4]  }
0x97: {  	[smem:s9], [sflag:s10] =	dma.local [hbm:s8], $0x1  }
0x98: {  	_ =	swait.eq [sflag:s10], $0x1  }
0x99: {  	s29 =	sld [smem:$0x10];
	[sflag:s10] =	ssyncset.done $0x0  }
0x9a: {  	s30 =	sld [smem:$0x11];
	[sflag:s10] =	ssyncadd.s32 $0xFFFFFFFF  }
0x9b: {  	s31 =	sld [smem:$0x12];
	(tm) =	ssettm $0x1  }
0x9c: {  	s11 =	sld [smem:$0x3FFB];
	_ =	sdelay $0x3  }
0x9d: {  	_ =	strace s11  }
0x9e: {  	s11 =	sld [smem:$0x3FFC];
	_ =	sdelay $0x3  }
0x9f: {  	_ =	strace s11  }
0xa0: {  	s11 =	sld [smem:$0x3FFD];
	_ =	sdelay $0x3  }
0xa1: {  	_ =	strace s11  }
0xa2: {  	_ =	strace $0x8FFFFFFF  }
0xa3: {  	s15 =	sld [smem:$0x3FDB];
	_ =	sdelay $0x1  }
0xa4: {  	s12 =	simm.s32 $_scs_section_size  }
0xa5: {  	s13 =	simm.s32 $_size__tile_task_arg_handler_lowered;
	s14 =	simm.s32 $_tile_task_arg_handler_lowered  }
0xa6: {  	s18 =	simm.s32 $0x1BFF;
	s17 =	sshll.u32 s14, $0x1;
	s12 =	sadd.s32 s12, s15  }
0xa7: {  	s16 =	sshll.u32 s13, $0x1;
	s15 =	simm.s32 $0x60;
	s13 =	sadd.s32 s17, s12  }
0xa8: {  	[timem:s15], [sflag:s18] =	dma.local [hbm:s13], s16  }
0xa9: {  	_ =	swait.ge [sflag:s18], s16  }
0xaa: {  	s19 =	simm.s32 $_tile_overlayer_lowered;
	s11 =	ssub.s32 $0x0, s16;
	[sflag:s18] =	ssyncset.done $0x0  }
0xab: {  	s20 =	simm.s32 $_size__tile_overlayer_lowered;
	s13 =	sshll.u32 s19, $0x1;
	[sflag:s18] =	ssyncadd.s32 s11  }
0xac: {  	s22 =	simm.s32 $0x0;
	s21 =	sshll.u32 s20, $0x1;
	s13 =	sadd.s32 s13, s12  }
0xad: {  	[timem:s22], [sflag:s18] =	dma.local [hbm:s13], s21  }
0xae: {  	_ =	swait.ge [sflag:s18], s21  }
0xaf: {  	s23 =	ssub.s32 $0x0, s21;
	[sflag:s18] =	ssyncset.done $0x0  }
0xb0: {  	[sflag:s18] =	ssyncadd.s32 s23;
	_ =	sdelay $0x1  }
0xb1: {  	s24 =	simm.s32 $0x1B8B  }
0xb2: {  	_ =	swait.ge [sflag:s24], $0x1  }
0xb3: {  	[sflag:s24] =	ssyncset.done $0x0  }
0xb4: {  	s25 =	simm.s32 $0x1B8E;
	[sflag:s24] =	ssyncadd.s32 $0xFFFFFFFF  }
0xb5: {  	s26 =	simm.s32 $execute0_lowered;
	[smem:$0x3FD2] =	sst s25  }
0xb6: {  	s13 =	sshll.u32 s26, $0x1;
	_ =	strace $0x80000046;
	[dreg:$0x1] =	wrdreg $0xFFFFFFFF  }
0xb7: {  	s28 =	simm.s32 $_size_execute0_lowered;
	s12 =	sadd.s32 s12, s13;
	[dreg:$0x0] =	wrdreg $0x0  }
0xb8: {  	s13 =	sshll.u32 s28, $0x1;
	[dreg:$0x2] =	wrdreg s12  }
0xb9: {  	[dreg:$0x3] =	wrdreg s13  }
0xba: {  	[dreg:$0x4] =	wrdreg $0xC0  }
0xbb: {  	_ =	task [dreg:s22], $0x5FFFF  }
0xbc: {  	[dreg:$0x1] =	wrdreg $0xFFFFFFFF  }
0xbd: {  	[dreg:$0x0] =	wrdreg $0x30  }
0xbe: {  	[dreg:$0x2] =	wrdreg $0x0  }
0xbf: {  	[dreg:$0x3] =	wrdreg $0x9  }
0xc0: {  	_ =	task [dreg:s22], $0x4FFFF  }
0xc1: {  	[dreg:$0x1] =	wrdreg $0xFFFFFFFF  }
0xc2: {  	[dreg:$0x0] =	wrdreg $0x60  }
0xc3: {  	[dreg:$0x2] =	wrdreg s2  }
0xc4: {  	[dreg:$0x3] =	wrdreg s3  }
0xc5: {  	[dreg:$0x4] =	wrdreg s4  }
0xc6: {  	[dreg:$0x5] =	wrdreg s5  }
0xc7: {  	[dreg:$0x6] =	wrdreg s6  }
0xc8: {  	[dreg:$0x7] =	wrdreg s7  }
0xc9: {  	[dreg:$0x8] =	wrdreg s29  }
0xca: {  	[dreg:$0x9] =	wrdreg s30  }
0xcb: {  	[dreg:$0xa] =	wrdreg s31  }
0xcc: {  	[dreg:$0xb] =	wrdreg $0x141000  }
0xcd: {  	[dreg:$0xc] =	wrdreg $0x142000  }
0xce: {  	[dreg:$0xd] =	wrdreg $0x142800  }
0xcf: {  	[dreg:$0xe] =	wrdreg $0x143000  }
0xd0: {  	[dreg:$0xf] =	wrdreg $0x143800  }
0xd1: {  	_ =	task.clear_ibuf [dreg:s22], $0x10FFFF;
	_ =	strace $0x90000046  }
0xd2: {  	s29 =	simm.s32 $0x9;
	_ =	strace $0x80000048  }
0xd3: {  	_ =	swait.ge [sflag:s29], $0x1  }
0xd4: {  	[sflag:s29] =	ssyncadd.s32 $0xFFFFFFFF  }
0xd5: {  	_ =	strace $0x90000048  }
0xd6: {  	_ =	sfence  }
0xd7: {  	s30 =	sld [smem:$0x0];
	_ =	sdelay $0x2  }
0xd8: {  	s31 =	sshll.u32 s1, $0xD;
	s1 =	sshrl.u32 s1, $0x2  }
0xd9: {  	s3 =	sand.u32 $0x4000, s31;
	s1 =	sadd.s32 s1, s30  }
0xda: {  	s0 =	sor.u32 s3, s0;
	s1 =	sshll.u32 s1, $0x11  }
0xdb: {  	s0 =	sor.u32 s1, s0  }
0xdc: {  	s0 =	sadd.s32 $0x8F2B, s0  }
0xdd: {  	[sflag:s0] =	ssyncadd.remote.s32 $0x1  }
0xde: {  	_ =	sfence.sel $0xFFFF  }
0xdf: {  	[dreg:$0x0] =	wrdreg $0xFFFFFFFF;
	(pc) =	sbr.abs _section_cstart, $3  }
0xe0: {  	[dreg:$0x1] =	wrdreg $0xFFFFFFFF  }
0xe1: {  	_ =	task.clear_ibuf [dreg:s22], $0x2FFFF;
	_ =	strace $0x9FFFFFFF  }
0xe2: {  	(tm) =	ssettm $0x7FFFFFFF  }
0xe3: {  	_ =	shalt  }
tec
_tile_task_arg_handler_lowered:
.L_overlay_start_1:
0x0: {  	(tag) =	ssettag $0x1  }
0x1: {  	s0 =	rddreg [dreg:$0x0]  }
0x2: {  	s1 =	rddreg [dreg:$0x1]  }
0x3: {  	s2 =	rddreg [dreg:$0x2]  }
0x4: {  	s3 =	rddreg [dreg:$0x3]  }
0x5: {  	s4 =	rddreg [dreg:$0x4]  }
0x6: {  	s5 =	rddreg [dreg:$0x5]  }
0x7: {  	s6 =	rddreg [dreg:$0x6]  }
0x8: {  	s7 =	rddreg [dreg:$0x7]  }
0x9: {  	s8 =	rddreg [dreg:$0x8]  }
0xa: {  	s9 =	rddreg [dreg:$0x9]  }
0xb: {  	s10 =	rddreg [dreg:$0xa]  }
0xc: {  	s11 =	rddreg [dreg:$0xb]  }
0xd: {  	s12 =	rddreg [dreg:$0xc]  }
0xe: {  	s13 =	rddreg [dreg:$0xd]  }
0xf: {  	[smem:s0] =	sst s1  }
0x10: {  	[smem:s0+$0x1] =	sst s2  }
0x11: {  	[smem:s0+$0x2] =	sst s3  }
0x12: {  	[smem:s0+$0x3] =	sst s4  }
0x13: {  	[smem:s0+$0x4] =	sst s5  }
0x14: {  	[smem:s0+$0x5] =	sst s6  }
0x15: {  	[smem:s0+$0x6] =	sst s7  }
0x16: {  	[smem:s0+$0x7] =	sst s8  }
0x17: {  	[smem:s0+$0x8] =	sst s9  }
0x18: {  	[smem:s0+$0x9] =	sst s10  }
0x19: {  	[smem:s0+$0xA] =	sst s11  }
0x1a: {  	[smem:s0+$0xB] =	sst s12  }
0x1b: {  	[smem:s0+$0xC] =	sst s13;
	_ =	shalt  }
.Lfunc_end2:
execute0_lowered:
.L_overlay_start_2:
0x1c: {  	(tag) =	ssettag $0x2  }
0x1d: {  	s0 =	rddreg [dreg:$0x0]  }
0x1e: {  	s1 =	rddreg [dreg:$0x1]  }
0x1f: {  	s2 =	rddreg [dreg:$0x2]  }
0x20: {  	s3 =	rddreg [dreg:$0x6]  }
0x21: {  	s11 =	rddreg [dreg:$0x7]  }
0x22: {  	s14 =	rddreg [dreg:$0x8]  }
0x23: {  	s18 =	rddreg [dreg:$0xa]  }
0x24: {  	s16 =	rddreg [dreg:$0xb]  }
0x25: {  	s4 =	srdreg.scid;
	s5 =	stileid.u32;
	s15 =	simm.s32 $0x0  }
0x26: {  	s4 =	sand.u32 $0x1, s4;
	s6 =	sshll.u32 s5, $0x1;
	[smem:$0x7FF] =	sst s15  }
0x27: {  	s6 =	sor.u32 s4, s6;
	s7 =	sld [smem:$0x0]  }
0x28: {  	s30 =	rddreg [dreg:$0xc];
	s8 =	smul.u32 $0x32, s6  }
0x29: {  	s28 =	rddreg [dreg:$0xd];
	s22 =	simm.s32 $0xFFFFD9E0;
	s9 =	smul.u32 $0x2710, s6  }
0x2a: {  	s23 =	ssub.s32 $0x2, s4;
	[dreg:$0x14] =	wrdreg s7;
	s0 =	sadd.s32 s0, s8  }
0x2b: {  	s25 =	sadd.s32 $0xFFFFDA30, s9;
	_ =	strace $0x80000047;
	[dreg:$0x16] =	wrdreg s0  }
0x2c: {  	s19 =	smul.u32 $0x2710, s4;
	s10 =	sshrl.u32 s23, $0x1;
	[dreg:$0xe] =	wrdreg s25  }
0x2d: {  	s7 =	ssub.s32 s23, s10;
	s23 =	simm.s32 $0x370;
	[dreg:$0xf] =	wrdreg s22  }
0x2e: {  	s13 =	smul.u32 $0x27100, s6;
	s12 =	sshrl.u32 s9, $0x3;
	[dreg:$0x10] =	wrdreg s23  }
0x2f: {  	s24 =	smul.u32 $0x1900, s6;
	s2 =	sadd.s32 s2, s12;
	[dreg:$0x12] =	wrdreg s9  }
0x30: {  	s26 =	smul.u32 $0xC800, s6;
	s1 =	sadd.s32 s1, s12;
	[dreg:$0x15] =	wrdreg s2  }
0x31: {  	s20 =	smul.u32 $0x138800, s6;
	s12 =	sadd.s32 s3, s24;
	[dreg:$0x17] =	wrdreg s1  }
0x32: {  	s10 =	smul.u32 $0x4E20, s5;
	s24 =	sadd.s32 s11, s13;
	[dreg:$0x18] =	wrdreg s12  }
0x33: {  	s17 =	sshrl.u32 s26, $0x3;
	s25 =	sshrl.u32 s20, $0x3;
	[dreg:$0x19] =	wrdreg s24  }
0x34: {  	s26 =	sadd.s32 s11, s25;
	s8 =	sadd.s32 s14, s25;
	s25 =	smax.u32 s7, $0x1  }
0x35: {  	p0 =	sgt.u32 s6, $0x18;
	s21 =	sadd.s32 s19, s10;
	[smem:$0x7FB] =	sst s25  }
0x36: {  	p1 =	slt.u32 s6, $0x19;
	s6 =	sadd.s32 $0x500, s26;
	[dreg:$0x11] =	wrdreg s21  }
0x37: {  	s0 =	sadd.s32 $0xA00, s26;
	[dreg:$0x1a] =	wrdreg s6  }
0x38: {  	s2 =	sadd.s32 $0x24E00, s8;
	[dreg:$0x1b] =	wrdreg s0  }
0x39: {  	s10 =	sadd.s32 $0x25300, s8;
	[dreg:$0x1c] =	wrdreg s2  }
0x3a: {  	s12 =	sadd.s32 $0x25800, s8;
	[dreg:$0x1d] =	wrdreg s10  }
0x3b: {  	s29 =	simm.s32 $0x11900;
	s13 =	sadd.s32 $0x25D00, s8;
	[dreg:$0x1e] =	wrdreg s12  }
0x3c: {  	s1 =	sadd.s32 s3, s17;
	s17 =	sadd.s32 $0x26200, s8;
	[dreg:$0x1f] =	wrdreg s13  }
0x3d: {  	p3 =	seq.s32 s5, $0x1;
	s19 =	sadd.s32 $0x26700, s8;
	[smem:$0x7F4] =	sst s17  }
0x3e: {  	p2 =	sne.s32 s5, $0x0;
	s22 =	sadd.s32 $0x500, s1;
	[smem:$0x7F5] =	sst s19  }
0x3f: {  	s31 =	smul.u32 $0x27100, s4;
	s23 =	sadd.s32 $0xA00, s1;
	[smem:$0x7F7] =	sst s22  }
0x40: {  	s20 =	smul.u32 $0x4E200, s5;
	s24 =	sadd.s32 $0xF00, s1;
	[smem:$0x7F8] =	sst s23  }
0x41: {  	s5 =	simm.s32 $0x7;
	s1 =	sadd.s32 $0x1400, s1;
	[smem:$0x7F9] =	sst s24  }
0x42: {  	s3 =	simm.s32 $0xF;
	s26 =	sadd.s32 s20, s14;
	[smem:$0x7FA] =	sst s1  }
0x43: {  	s0 =	sadd.s32 $0x26C00, s8;
	[smem:$0x7FC] =	sst s26;
	s17 =	sadd.s32 $0x140, s9  }
0x44: {  	s9 =	simm.s32 $0x50;
	s12 =	simm.s32 $0x5100;
	s13 =	simm.s32 $0x7900  }
0x45: {  	s22 =	simm.s32 $0xA100;
	s19 =	simm.s32 $0x1;
	s24 =	simm.s32 $0xF100  }
0x46: {  	s10 =	simm.s32 $0x4;
	[smem:$0x7F6] =	sst s0;
	s0 =	sadd.s32 s20, s11  }
0x47: {  	s2 =	simm.s32 $0x0;
	s20 =	simm.s32 $0x2;
	[smem:$0x7FD] =	sst s0  }
.LBB3_1:
.Ltmp0:
0x48: {  	[smem:$0x7F3] =	sst s2;
	(pc) =	sbr.rel @p3 .LBB3_4-.Ltmp0, $4  }
0x49: {  	s0 =	rddreg [dreg:$0x15];
	s1 =	simm.s32 $0x2980  }
0x4a: {  	[tilespmem:s1], [sflag:$0xE] =	stream.linear.gather [hbm4b:s0+s15], $0x2710, $0x38;
	[tilespmem:$0x14400] =	vst v63  }
0x4b: {  	s2 =	simm.s32 @!p0 $0x0;
	s0 =	rddreg [dreg:$0x16]  }
0x4c: {  	[tilespmem:s2], [sflag:$0xD] =	stream.linear.gather @!p0 [hbm4b:s0+s2], $0x190, $0x38;
	[tilespmem:$0x14400] =	vst v63  }
.Ltmp1:
0x4d: {  	(pc) =	sbr.rel @p2 .LBB3_6-.Ltmp1, $1  }
0x4e: {  	_ =	sdelay $0x3  }
0x4f: {  	s0 =	rddreg [dreg:$0x9]  }
0x50: {  	s7 =	rddreg [dreg:$0x3];
	s1 =	simm.s32 $0x1C0F;
	s2 =	sshrl.u32 s0, $0x3  }
0x51: {  	[spmem:s2], [sflag:s1] =	dma.local [hbm:s7], $0x200  }
0x52: {  	_ =	swait.ge [sflag:s3], $0x200  }
0x53: {  	[sflag:s3] =	ssyncset.done $0x0  }
0x54: {  	[sflag:s3] =	ssyncadd.s32 $0xFFFFFE00  }
0x55: {  	s8 =	sshrl.u32 s18, $0x3;
	s23 =	rddreg [dreg:$0x4]  }
0x56: {  	[spmem:s8], [sflag:s1] =	dma.local [hbm:s23], $0x100  }
.Ltmp2:
0x57: {  	_ =	swait.ge [sflag:s3], $0x100;
	(pc) =	sbr.rel .LBB3_5-.Ltmp2, $4  }
0x58: {  	[sflag:s3] =	ssyncset.done $0x0  }
0x59: {  	[sflag:s3] =	ssyncadd.s32 $0xFFFFFF00  }
0x5a: {  	s25 =	sshrl.u32 s30, $0x3;
	s26 =	rddreg [dreg:$0x5]  }
0x5b: {  	[spmem:s25], [sflag:s1] =	dma.local [hbm:s26], $0x100  }
.LBB3_4:
0x5c: {  	s2 =	sshrl.u32 s16, $0x3;
	s0 =	rddreg [dreg:$0x4];
	s1 =	simm.s32 $0x1C4F  }
0x5d: {  	[spmem:s2], [sflag:s1] =	dma.local [hbm:s0], $0x100  }
0x5e: {  	_ =	swait.ge [sflag:s3], $0x100  }
0x5f: {  	[sflag:s3] =	ssyncset.done $0x0  }
0x60: {  	[sflag:s3] =	ssyncadd.s32 $0xFFFFFF00  }
0x61: {  	s25 =	sshrl.u32 s28, $0x3;
	s26 =	rddreg [dreg:$0x5]  }
0x62: {  	[spmem:s25], [sflag:s1] =	dma.local [hbm:s26], $0x100  }
.LBB3_5:
0x63: {  	_ =	swait.ge [sflag:s3], $0x100  }
0x64: {  	[sflag:s3] =	ssyncset.done $0x0  }
0x65: {  	[sflag:s3] =	ssyncadd.s32 $0xFFFFFF00  }
.LBB3_6:
0x66: {  	s0 =	rddreg [dreg:$0x17];
	s1 =	simm.s32 $0x200  }
0x67: {  	[tilespmem:s1], [sflag:$0xF] =	stream.linear.gather [hbm4b:s0+s15], $0x2710, $0x38;
	[tilespmem:$0x14400] =	vst v63  }
0x68: {  	_ =	swait.ge [sflag:s3], $0x2710  }
0x69: {  	[sflag:s3] =	ssyncset.done $0x0  }
0x6a: {  	[sflag:s3] =	ssyncadd.s32 $0xFFFFD8F0  }
0x6b: {  	[bflag:$0x0] =	sbarrier.arrive $0xFFFF  }
0x6c: {  	[tilespmem:s12], [sflag:$0x1] =	stream.indirect.gather [spmem:s18], $0x80, s1, s9, $0xb8;
	[tilespmem:$0x14400] =	vst v63  }
0x6d: {  	s25 =	simm.s32 $0x250  }
0x6e: {  	[tilespmem:s13], [sflag:$0x2] =	stream.indirect.gather [spmem:s16], $0x80, s25, s9, $0xb8;
	[tilespmem:$0x14400] =	vst v63  }
0x6f: {  	s26 =	simm.s32 $0x2A0;
	s1 =	simm.s32 $0xE  }
0x70: {  	[tilespmem:s22], [sflag:$0x3] =	stream.indirect.gather [spmem:s18], $0x80, s26, s9, $0xb8;
	[tilespmem:$0x14400] =	vst v63  }
0x71: {  	_ =	swait.ge [sflag:s1], $0x2710  }
0x72: {  	[sflag:s1] =	ssyncset.done $0x0  }
0x73: {  	s2 =	simm.s32 @!p0 $0xD;
	[sflag:s1] =	ssyncadd.s32 $0xFFFFD8F0  }
0x74: {  	_ =	swait.ge @!p0 [sflag:s2], $0x190  }
0x75: {  	[sflag:s2] =	ssyncset.done @!p0 $0x0  }
0x76: {  	[sflag:s2] =	ssyncadd.s32 @!p0 $0xFFFFFE70  }
0x77: {  	_ =	swait.ge [sflag:s19], $0x2800  }
0x78: {  	[sflag:s19] =	ssyncset.done $0x0  }
0x79: {  	s25 =	simm.s32 $0x0;
	s2 =	rddreg [dreg:$0x19];
	[sflag:s19] =	ssyncadd.s32 $0xFFFFD800  }
0x7a: {  	[hbm4b:s2+s25] =	stream.linear.scatter [tilespmem:s12], [sflag:$0x7], $0x2800, $0x38;
	[tilespmem:$0x14400] =	vst v63  }
0x7b: {  	s4 =	simm.s32 $0xC900;
	s3 =	simm.s32 $0x2F0  }
0x7c: {  	[tilespmem:s4], [sflag:$0x4] =	stream.indirect.gather [spmem:s16], $0x80, s3, s9, $0xb8;
	[tilespmem:$0x14400] =	vst v63  }
0x7d: {  	_ =	swait.ge [sflag:s20], $0x2800  }
0x7e: {  	[sflag:s20] =	ssyncset.done $0x0  }
0x7f: {  	s6 =	rddreg [dreg:$0x1a];
	[sflag:s20] =	ssyncadd.s32 $0xFFFFD800  }
0x80: {  	[hbm4b:s6+s25] =	stream.linear.scatter [tilespmem:s13], [sflag:$0x8], $0x2800, $0x38;
	[tilespmem:$0x14400] =	vst v63  }
0x81: {  	s7 =	simm.s32 $0x340;
	s8 =	simm.s32 $0x3  }
0x82: {  	[tilespmem:s24], [sflag:$0x5] =	stream.indirect.gather [spmem:s18], $0x80, s7, s9, $0xb8;
	[tilespmem:$0x14400] =	vst v63  }
0x83: {  	_ =	swait.ge [sflag:s8], $0x2800  }
0x84: {  	[sflag:s8] =	ssyncset.done $0x0  }
0x85: {  	s12 =	rddreg [dreg:$0x1b];
	[sflag:s8] =	ssyncadd.s32 $0xFFFFD800  }
0x86: {  	[hbm4b:s12+s25] =	stream.linear.scatter [tilespmem:s22], [sflag:$0x9], $0x2800, $0x38;
	[tilespmem:$0x14400] =	vst v63  }
0x87: {  	s13 =	simm.s32 $0x390  }
0x88: {  	[tilespmem:s29], [sflag:$0x6] =	stream.indirect.gather [spmem:s16], $0x80, s13, s9, $0xb8;
	[tilespmem:$0x14400] =	vst v63  }
0x89: {  	_ =	swait.ge [sflag:s10], $0x2800  }
0x8a: {  	p4 =	por $0x0, $0x0;
	s2 =	rddreg [dreg:$0xf]  }
0x8b: {  	s2 =	simm.s32 @!p4 $0xF0  }
0x8c: {  	s2 =	sadd.s32 s2, s21  }
0x8d: {  	s3 =	smov.u32 s11;
	s2 =	sadd.s32 $0x0, s2  }
0x8e: {  	s3 =	smov.u32 @p4 s14;
	[sflag:s10] =	ssyncset.done $0x0;
	s2 =	sshll.u32 s2, $0x4  }
0x8f: {  	[sflag:s10] =	ssyncadd.s32 $0xFFFFD800;
	s2 =	sadd.s32 s3, s2  }
0x90: {  	[hbm4b:s2+s15] =	stream.linear.scatter [tilespmem:s4], [sflag:$0xA], $0x2800, $0x38;
	[tilespmem:$0x14400] =	vst v63  }
0x91: {  	p4 =	por $0x0, $0x0;
	_ =	swait.ge [sflag:s5], $0x2800  }
0x92: {  	s6 =	simm.s32 @p4 $0x5100;
	[sflag:s5] =	ssyncset.done $0x0  }
0x93: {  	s4 =	simm.s32 @p4 $0x50;
	s2 =	simm.s32 @p4 $0x450;
	[sflag:s5] =	ssyncadd.s32 $0xFFFFD800  }
0x94: {  	[tilespmem:s6], [sflag:$0x1] =	stream.indirect.gather @p4 [spmem:s30], $0x80, s2, s4, $0xb8;
	[tilespmem:$0x14400] =	vst v63  }
0x95: {  	s2 =	simm.s32 @p4 $0x5  }
0x96: {  	p5 =	por @p4 $0x0, $0x0;
	s7 =	simm.s32 @!p4 $0x3E0;
	_ =	swait.ge @p4 [sflag:s2], $0x2800  }
0x97: {  	p5 =	por !p5, !p4;
	s5 =	simm.s32 @!p4 $0x5100;
	[sflag:s2] =	ssyncset.done @p4 $0x0  }
0x98: {  	s8 =	rddreg [dreg:$0xe];
	[sflag:s2] =	ssyncadd.s32 @p4 $0xFFFFD800;
	s2 =	simm.s32 @!p4 $0x50  }
0x99: {  	[tilespmem:s5], [sflag:$0x1] =	stream.indirect.gather @!p4 [spmem:s18], $0x80, s7, s2, $0xb8;
	[tilespmem:$0x14400] =	vst v63  }
0x9a: {  	s8 =	smov.u32 @p5 s17;
	s7 =	smov.u32 s17  }
0x9b: {  	s12 =	simm.s32 @!p4 $0x5;
	s7 =	smov.u32 @p4 s8  }
0x9c: {  	_ =	swait.ge @!p4 [sflag:s12], $0x2800;
	s8 =	smov.u32 s11;
	s7 =	sadd.s32 $0x0, s7  }
0x9d: {  	s8 =	smov.u32 @p4 s3;
	[sflag:s12] =	ssyncset.done @!p4 $0x0;
	s19 =	sshll.u32 s7, $0x4  }
0x9e: {  	s20 =	simm.s32 $0x8;
	[sflag:s12] =	ssyncadd.s32 @!p4 $0xFFFFD800;
	s3 =	sadd.s32 s8, s19  }
0x9f: {  	[hbm4b:s3+s15] =	stream.linear.scatter [tilespmem:s24], [sflag:$0xB], $0x2800, $0x38;
	[tilespmem:$0x14400] =	vst v63  }
0xa0: {  	_ =	swait.ge [sflag:s20], $0x2800  }
0xa1: {  	s7 =	simm.s32 @p4 $0x7900;
	s8 =	simm.s32 @p4 $0x6;
	[sflag:s20] =	ssyncset.done $0x0  }
0xa2: {  	s3 =	simm.s32 @p4 $0x4A0;
	s0 =	sld [smem:$0x7FC];
	[sflag:s20] =	ssyncadd.s32 $0xFFFFD800  }
0xa3: {  	[tilespmem:s7], [sflag:$0x2] =	stream.indirect.gather @p4 [spmem:s28], $0x80, s3, s4, $0xb8;
	[tilespmem:$0x14400] =	vst v63  }
0xa4: {  	_ =	swait.ge @p4 [sflag:s8], $0x2800  }
0xa5: {  	s13 =	simm.s32 @p4 $0x0;
	s3 =	sadd.s32 @p4 s0, s31;
	[sflag:s8] =	ssyncset.done @p4 $0x0  }
0xa6: {  	s12 =	sadd.s32 @p4 $0xFFFDA800, s3;
	[sflag:s8] =	ssyncadd.s32 @p4 $0xFFFFD800;
	s8 =	simm.s32 @p4 $0x11900  }
0xa7: {  	[hbm4b:s12+s13] =	stream.linear.scatter @p4 [tilespmem:s8], [sflag:$0xC], $0x2800, $0x38;
	[tilespmem:$0x14400] =	vst v63  }
0xa8: {  	s8 =	simm.s32 @p4 $0x9  }
0xa9: {  	_ =	swait.ge @p4 [sflag:s8], $0x2800  }
0xaa: {  	[sflag:s8] =	ssyncset.done @p4 $0x0  }
0xab: {  	s12 =	simm.s32 @p4 $0x4F0;
	[sflag:s8] =	ssyncadd.s32 @p4 $0xFFFFD800;
	s8 =	simm.s32 @p4 $0xA100  }
0xac: {  	[tilespmem:s8], [sflag:$0x3] =	stream.indirect.gather @p4 [spmem:s30], $0x80, s12, s4, $0xb8;
	[tilespmem:$0x14400] =	vst v63  }
0xad: {  	s8 =	simm.s32 @p4 $0x1  }
0xae: {  	_ =	swait.ge @p4 [sflag:s8], $0x2800  }
0xaf: {  	[sflag:s8] =	ssyncset.done @p4 $0x0  }
0xb0: {  	[sflag:s8] =	ssyncadd.s32 @p4 $0xFFFFD800;
	s8 =	sadd.s32 @p4 $0xFFFDAD00, s3  }
0xb1: {  	[hbm4b:s8+s13] =	stream.linear.scatter @p4 [tilespmem:s6], [sflag:$0x7], $0x2800, $0x38;
	[tilespmem:$0x14400] =	vst v63  }
0xb2: {  	s6 =	simm.s32 @p4 $0xA  }
0xb3: {  	_ =	swait.ge @p4 [sflag:s6], $0x2800  }
0xb4: {  	[sflag:s6] =	ssyncset.done @p4 $0x0  }
0xb5: {  	s8 =	simm.s32 @p4 $0x540;
	[sflag:s6] =	ssyncadd.s32 @p4 $0xFFFFD800;
	s6 =	simm.s32 @p4 $0xC900  }
0xb6: {  	[tilespmem:s6], [sflag:$0x4] =	stream.indirect.gather @p4 [spmem:s28], $0x80, s8, s4, $0xb8;
	[tilespmem:$0x14400] =	vst v63  }
0xb7: {  	s6 =	simm.s32 @p4 $0x2  }
0xb8: {  	_ =	swait.ge @p4 [sflag:s6], $0x2800  }
0xb9: {  	[sflag:s6] =	ssyncset.done @p4 $0x0  }
0xba: {  	s3 =	sadd.s32 @p4 $0xFFFDB200, s3;
	[sflag:s6] =	ssyncadd.s32 @p4 $0xFFFFD800;
	s6 =	simm.s32 @p4 $0xB  }
0xbb: {  	[hbm4b:s3+s13] =	stream.linear.scatter @p4 [tilespmem:s7], [sflag:$0x8], $0x2800, $0x38;
	[tilespmem:$0x14400] =	vst v63  }
0xbc: {  	_ =	swait.ge @p4 [sflag:s6], $0x2800  }
0xbd: {  	s3 =	simm.s32 @p4 $0x590;
	[sflag:s6] =	ssyncset.done @p4 $0x0  }
0xbe: {  	s7 =	simm.s32 @p4 $0xF100;
	[sflag:s6] =	ssyncadd.s32 @p4 $0xFFFFD800;
	s6 =	simm.s32 @p4 $0x3  }
0xbf: {  	[tilespmem:s7], [sflag:$0x5] =	stream.indirect.gather @p4 [spmem:s30], $0x80, s3, s4, $0xb8;
	[tilespmem:$0x14400] =	vst v63  }
0xc0: {  	_ =	swait.ge @p4 [sflag:s6], $0x2800  }
0xc1: {  	s3 =	simm.s32 @!p4 $0x430;
	s4 =	simm.s32 @!p4 $0x7900;
	[sflag:s6] =	ssyncset.done @p4 $0x0  }
0xc2: {  	s1 =	sld [smem:$0x7FD];
	[sflag:s6] =	ssyncadd.s32 @p4 $0xFFFFD800;
	s6 =	simm.s32 @!p4 $0x6  }
0xc3: {  	[tilespmem:s4], [sflag:$0x2] =	stream.indirect.gather @!p4 [spmem:s16], $0x80, s3, s2, $0xb8;
	[tilespmem:$0x14400] =	vst v63  }
0xc4: {  	_ =	swait.ge @!p4 [sflag:s6], $0x2800  }
0xc5: {  	s8 =	simm.s32 @!p4 $0x0;
	s3 =	sadd.s32 @!p4 s1, s31;
	[sflag:s6] =	ssyncset.done @!p4 $0x0  }
0xc6: {  	s7 =	sadd.s32 @!p4 $0x1900, s3;
	[sflag:s6] =	ssyncadd.s32 @!p4 $0xFFFFD800;
	s6 =	simm.s32 @!p4 $0x11900  }
0xc7: {  	[hbm4b:s7+s8] =	stream.linear.scatter @!p4 [tilespmem:s6], [sflag:$0xC], $0x2800, $0x38;
	[tilespmem:$0x14400] =	vst v63  }
0xc8: {  	s6 =	simm.s32 @!p4 $0x9  }
0xc9: {  	_ =	swait.ge @!p4 [sflag:s6], $0x2800  }
0xca: {  	[sflag:s6] =	ssyncset.done @!p4 $0x0  }
0xcb: {  	s7 =	simm.s32 @!p4 $0x480;
	[sflag:s6] =	ssyncadd.s32 @!p4 $0xFFFFD800;
	s6 =	simm.s32 @!p4 $0xA100  }
0xcc: {  	[tilespmem:s6], [sflag:$0x3] =	stream.indirect.gather @!p4 [spmem:s18], $0x80, s7, s2, $0xb8;
	[tilespmem:$0x14400] =	vst v63  }
0xcd: {  	s6 =	simm.s32 @!p4 $0x1  }
0xce: {  	_ =	swait.ge @!p4 [sflag:s6], $0x2800  }
0xcf: {  	[sflag:s6] =	ssyncset.done @!p4 $0x0  }
0xd0: {  	s7 =	sadd.s32 @!p4 $0x1E00, s3;
	[sflag:s6] =	ssyncadd.s32 @!p4 $0xFFFFD800;
	s6 =	simm.s32 @!p4 $0xA  }
0xd1: {  	[hbm4b:s7+s8] =	stream.linear.scatter @!p4 [tilespmem:s5], [sflag:$0x7], $0x2800, $0x38;
	[tilespmem:$0x14400] =	vst v63  }
0xd2: {  	s23 =	simm.s32 $0xC;
	_ =	swait.ge @!p4 [sflag:s6], $0x2800  }
0xd3: {  	s26 =	simm.s32 $0xC900;
	s5 =	simm.s32 @!p4 $0x4D0;
	[sflag:s6] =	ssyncset.done @!p4 $0x0  }
0xd4: {  	s7 =	simm.s32 @!p4 $0xC900;
	[sflag:s6] =	ssyncadd.s32 @!p4 $0xFFFFD800;
	s6 =	simm.s32 @!p4 $0x2  }
0xd5: {  	[tilespmem:s7], [sflag:$0x4] =	stream.indirect.gather @!p4 [spmem:s16], $0x80, s5, s2, $0xb8;
	[tilespmem:$0x14400] =	vst v63  }
0xd6: {  	s19 =	simm.s32 $0x1E0;
	s5 =	smul.u32 $0x6, s25;
	_ =	swait.ge @!p4 [sflag:s6], $0x2800  }
0xd7: {  	s20 =	sadd.s32 $0x1E00, s0;
	s13 =	sadd.s32 $0x1E00, s1;
	[sflag:s6] =	ssyncset.done @!p4 $0x0  }
0xd8: {  	s3 =	sadd.s32 @!p4 $0x2300, s3;
	s5 =	smul.u32 @!p4 $0x50, s5;
	[sflag:s6] =	ssyncadd.s32 @!p4 $0xFFFFD800  }
0xd9: {  	[hbm4b:s3+s8] =	stream.linear.scatter @!p4 [tilespmem:s4], [sflag:$0x8], $0x2800, $0x38;
	[tilespmem:$0x14400] =	vst v63  }
0xda: {  	s7 =	simm.s32 @!p4 $0x520;
	s6 =	simm.s32 @!p4 $0xB;
	s4 =	rddreg [dreg:$0x12]  }
0xdb: {  	s3 =	sadd.s32 @p4 $0x0, s21;
	s4 =	sadd.s32 @!p4 s4, s5;
	_ =	swait.ge @!p4 [sflag:s6], $0x2800  }
0xdc: {  	s3 =	sadd.s32 @p4 $0xFFFFDB70, s3;
	s5 =	simm.s32 @!p4 $0xF100;
	[sflag:s6] =	ssyncset.done @!p4 $0x0  }
0xdd: {  	s4 =	sadd.s32 @!p4 $0x280, s4;
	[sflag:s6] =	ssyncadd.s32 @!p4 $0xFFFFD800;
	s6 =	simm.s32 @!p4 $0x3  }
0xde: {  	[tilespmem:s5], [sflag:$0x5] =	stream.indirect.gather @!p4 [spmem:s18], $0x80, s7, s2, $0xb8;
	[tilespmem:$0x14400] =	vst v63  }
0xdf: {  	s4 =	smov.u32 @p4 s3;
	s2 =	smov.u32 s11;
	_ =	swait.ge @!p4 [sflag:s6], $0x2800  }
0xe0: {  	s3 =	sshll.u32 s4, $0x4;
	s2 =	smov.u32 @p4 s14;
	[sflag:s6] =	ssyncset.done @!p4 $0x0  }
0xe1: {  	s4 =	simm.s32 $0x0;
	s2 =	sadd.s32 s2, s3;
	[sflag:s6] =	ssyncadd.s32 @!p4 $0xFFFFD800  }
0xe2: {  	[hbm4b:s2+s15] =	stream.linear.scatter [tilespmem:s22], [sflag:$0x9], $0x2800, $0x38;
	[tilespmem:$0x14400] =	vst v63  }
0xe3: {  	s3 =	smov.u32 s28;
	p4 =	por $0x1, $0x1;
	_ =	swait.ge [sflag:s23], $0x2800  }
0xe4: {  	s6 =	simm.s32 $0x200;
	s2 =	simm.s32 $0x780;
	s5 =	rddreg [dreg:$0x10]  }
0xe5: {  	s6 =	simm.s32 @!p4 $0x2980;
	[sflag:s23] =	ssyncset.done $0x0;
	s5 =	simm.s32 @!p4 $0xFFFFDC60  }
0xe6: {  	s3 =	smov.u32 @p4 s16;
	[sflag:s23] =	ssyncadd.s32 $0xFFFFD800;
	s5 =	sadd.s32 s5, s6  }
.LBB3_7:
0xe7: {  	s1 =	smov.u32 s2  }
0xe8: {  	s4 =	sadd.s32 s4, s5;
	[dreg:$0x13] =	wrdreg s1  }
0xe9: {  	[tilespmem:s29], [sflag:$0x6] =	stream.indirect.gather [spmem:s3], $0x80, s4, s9, $0xb8;
	[tilespmem:$0x14400] =	vst v63  }
0xea: {  	s25 =	sadd.s32 $0x1, s25;
	_ =	swait.ge [sflag:s10], $0x2800  }
0xeb: {  	p5 =	sgt.u32 s25, $0x14;
	s3 =	rddreg [dreg:$0xf]  }
0xec: {  	s5 =	rddreg [dreg:$0x11];
	s3 =	simm.s32 @!p5 $0xF0  }
0xed: {  	s3 =	sadd.s32 s3, s5  }
0xee: {  	s4 =	smov.u32 s11;
	s3 =	sadd.s32 s19, s3  }
0xef: {  	s4 =	smov.u32 @p5 s14;
	[sflag:s10] =	ssyncset.done $0x0;
	s3 =	sshll.u32 s3, $0x4  }
0xf0: {  	s0 =	simm.s32 $0x7;
	[sflag:s10] =	ssyncadd.s32 $0xFFFFD800;
	s3 =	sadd.s32 s4, s3  }
0xf1: {  	[hbm4b:s3+s15] =	stream.linear.scatter [tilespmem:s26], [sflag:$0xA], $0x2800, $0x38;
	[tilespmem:$0x14400] =	vst v63  }
0xf2: {  	p5 =	sgt.u32 s25, $0x13;
	_ =	swait.ge [sflag:s0], $0x2800  }
0xf3: {  	s6 =	sshra.s32 @p5 s1, $0x2;
	s22 =	simm.s32 @p5 $0x50;
	[sflag:s0] =	ssyncset.done $0x0  }
0xf4: {  	s3 =	sadd.s32 @p5 $0x450, s6;
	[sflag:s0] =	ssyncadd.s32 $0xFFFFD800;
	s0 =	simm.s32 @p5 $0x5100  }
0xf5: {  	[tilespmem:s0], [sflag:$0x1] =	stream.indirect.gather @p5 [spmem:s30], $0x80, s3, s22, $0xb8;
	[tilespmem:$0x14400] =	vst v63  }
0xf6: {  	s16 =	smul.u32 $0x6, s25;
	s14 =	smov.u32 s18;
	s3 =	simm.s32 @p5 $0x5  }
0xf7: {  	s10 =	smov.u32 s11;
	p6 =	sgt.u32 @p5 s25, $0x14;
	_ =	swait.ge @p5 [sflag:s3], $0x2800  }
0xf8: {  	s15 =	sshra.s32 @!p5 s1, $0x2;
	s1 =	simm.s32 @!p5 $0x50;
	[sflag:s3] =	ssyncset.done @p5 $0x0  }
0xf9: {  	s7 =	sadd.s32 @!p5 $0x3E0, s15;
	[sflag:s3] =	ssyncadd.s32 @p5 $0xFFFFD800;
	s3 =	simm.s32 @!p5 $0x5100  }
0xfa: {  	[tilespmem:s3], [sflag:$0x1] =	stream.indirect.gather @!p5 [spmem:s18], $0x80, s7, s1, $0xb8;
	[tilespmem:$0x14400] =	vst v63  }
0xfb: {  	p6 =	por !p6, !p5;
	s8 =	rddreg [dreg:$0xe];
	s3 =	smov.u32 s11  }
0xfc: {  	s8 =	smov.u32 @p6 s17;
	s3 =	smov.u32 @p5 s4;
	s4 =	smov.u32 s17  }
0xfd: {  	s12 =	simm.s32 @!p5 $0x5;
	s23 =	simm.s32 @p5 $0x7900;
	s4 =	smov.u32 @p5 s8  }
0xfe: {  	s16 =	smul.u32 @!p5 $0x50, s16;
	_ =	swait.ge @!p5 [sflag:s12], $0x2800;
	s4 =	sadd.s32 s19, s4  }
0xff: {  	s26 =	simm.s32 $0x0;
	[sflag:s12] =	ssyncset.done @!p5 $0x0;
	s4 =	sshll.u32 s4, $0x4  }
0x100: {  	s8 =	simm.s32 $0x8;
	[sflag:s12] =	ssyncadd.s32 @!p5 $0xFFFFD800;
	s3 =	sadd.s32 s3, s4  }
0x101: {  	[hbm4b:s3+s26] =	stream.linear.scatter [tilespmem:s24], [sflag:$0xB], $0x2800, $0x38;
	[tilespmem:$0x14400] =	vst v63  }
0x102: {  	s9 =	sadd.s32 @p5 $0x4F0, s6;
	s0 =	simm.s32 @p5 $0x9;
	_ =	swait.ge [sflag:s8], $0x2800  }
0x103: {  	s18 =	sadd.s32 @p5 $0x4A0, s6;
	s7 =	sadd.s32 @p5 s20, s31;
	[sflag:s8] =	ssyncset.done $0x0  }
0x104: {  	s29 =	sadd.s32 @p5 $0xFFFDA800, s7;
	s24 =	simm.s32 @p5 $0x6;
	[sflag:s8] =	ssyncadd.s32 $0xFFFFD800  }
0x105: {  	[tilespmem:s23], [sflag:$0x2] =	stream.indirect.gather @p5 [spmem:s28], $0x80, s18, s22, $0xb8;
	[tilespmem:$0x14400] =	vst v63  }
0x106: {  	s11 =	sadd.s32 @p5 $0xFFFDAD00, s7;
	s26 =	smov.u32 s30;
	_ =	swait.ge @p5 [sflag:s24], $0x2800  }
0x107: {  	s30 =	sadd.s32 @!p5 s13, s31;
	s3 =	smov.u32 s31;
	[sflag:s24] =	ssyncset.done @p5 $0x0  }
0x108: {  	s31 =	simm.s32 @p5 $0x0;
	s18 =	simm.s32 @p5 $0x11900;
	[sflag:s24] =	ssyncadd.s32 @p5 $0xFFFFD800  }
0x109: {  	[hbm4b:s29+s31] =	stream.linear.scatter @p5 [tilespmem:s18], [sflag:$0xC], $0x2800, $0x38;
	[tilespmem:$0x14400] =	vst v63  }
0x10a: {  	s8 =	sadd.s32 @!p5 $0x1900, s30;
	s24 =	sadd.s32 @!p5 $0x1E00, s30;
	_ =	swait.ge @p5 [sflag:s0], $0x2800  }
0x10b: {  	s29 =	sadd.s32 @!p5 $0x2300, s30;
	s30 =	simm.s32 @p5 $0xA100;
	[sflag:s0] =	ssyncset.done @p5 $0x0  }
0x10c: {  	s1 =	rddreg [dreg:$0x12];
	[sflag:s0] =	ssyncadd.s32 @p5 $0xFFFFD800;
	s0 =	simm.s32 @p5 $0x1  }
0x10d: {  	[tilespmem:s30], [sflag:$0x3] =	stream.indirect.gather @p5 [spmem:s26], $0x80, s9, s22, $0xb8;
	[tilespmem:$0x14400] =	vst v63  }
0x10e: {  	s16 =	sadd.s32 @!p5 s1, s16;
	s1 =	simm.s32 @p5 $0x5100;
	_ =	swait.ge @p5 [sflag:s0], $0x2800  }
0x10f: {  	s9 =	sadd.s32 @p5 s19, s5;
	s16 =	sadd.s32 @!p5 $0x280, s16;
	[sflag:s0] =	ssyncset.done @p5 $0x0  }
0x110: {  	s9 =	sadd.s32 @p5 $0xFFFFDB70, s9;
	[sflag:s0] =	ssyncadd.s32 @p5 $0xFFFFD800;
	s0 =	simm.s32 @p5 $0xA  }
0x111: {  	[hbm4b:s11+s31] =	stream.linear.scatter @p5 [tilespmem:s1], [sflag:$0x7], $0x2800, $0x38;
	[tilespmem:$0x14400] =	vst v63  }
0x112: {  	s4 =	sadd.s32 @p5 $0x540, s6;
	s16 =	smov.u32 @p5 s9;
	_ =	swait.ge @p5 [sflag:s0], $0x2800  }
0x113: {  	s1 =	sshll.u32 s16, $0x4;
	s16 =	rddreg [dreg:$0xb];
	[sflag:s0] =	ssyncset.done @p5 $0x0  }
0x114: {  	s9 =	simm.s32 @p5 $0xC900;
	[sflag:s0] =	ssyncadd.s32 @p5 $0xFFFFD800;
	s0 =	simm.s32 @p5 $0x2  }
0x115: {  	[tilespmem:s9], [sflag:$0x4] =	stream.indirect.gather @p5 [spmem:s28], $0x80, s4, s22, $0xb8;
	[tilespmem:$0x14400] =	vst v63  }
0x116: {  	_ =	swait.ge @p5 [sflag:s0], $0x2800  }
0x117: {  	[sflag:s0] =	ssyncset.done @p5 $0x0  }
0x118: {  	s7 =	sadd.s32 @p5 $0xFFFDB200, s7;
	[sflag:s0] =	ssyncadd.s32 @p5 $0xFFFFD800;
	s0 =	simm.s32 @p5 $0xB  }
0x119: {  	[hbm4b:s7+s31] =	stream.linear.scatter @p5 [tilespmem:s23], [sflag:$0x8], $0x2800, $0x38;
	[tilespmem:$0x14400] =	vst v63  }
0x11a: {  	s6 =	sadd.s32 @p5 $0x590, s6;
	_ =	swait.ge @p5 [sflag:s0], $0x2800  }
0x11b: {  	s30 =	smov.u32 s26;
	s31 =	smov.u32 s3;
	[sflag:s0] =	ssyncset.done @p5 $0x0  }
0x11c: {  	s3 =	simm.s32 @p5 $0xF100;
	[sflag:s0] =	ssyncadd.s32 @p5 $0xFFFFD800;
	s0 =	simm.s32 @p5 $0x3  }
0x11d: {  	[tilespmem:s3], [sflag:$0x5] =	stream.indirect.gather @p5 [spmem:s30], $0x80, s6, s22, $0xb8;
	[tilespmem:$0x14400] =	vst v63  }
0x11e: {  	_ =	swait.ge @p5 [sflag:s0], $0x2800  }
0x11f: {  	s12 =	sadd.s32 @!p5 $0x430, s15;
	s5 =	simm.s32 @!p5 $0x50;
	[sflag:s0] =	ssyncset.done @p5 $0x0  }
0x120: {  	s3 =	simm.s32 @!p5 $0x7900;
	[sflag:s0] =	ssyncadd.s32 @p5 $0xFFFFD800;
	s0 =	simm.s32 @!p5 $0x6  }
0x121: {  	[tilespmem:s3], [sflag:$0x2] =	stream.indirect.gather @!p5 [spmem:s16], $0x80, s12, s5, $0xb8;
	[tilespmem:$0x14400] =	vst v63  }
0x122: {  	_ =	swait.ge @!p5 [sflag:s0], $0x2800  }
0x123: {  	s7 =	simm.s32 @!p5 $0x11900;
	[sflag:s0] =	ssyncset.done @!p5 $0x0  }
0x124: {  	s6 =	simm.s32 @!p5 $0x0;
	[sflag:s0] =	ssyncadd.s32 @!p5 $0xFFFFD800;
	s0 =	simm.s32 @!p5 $0x9  }
0x125: {  	[hbm4b:s8+s6] =	stream.linear.scatter @!p5 [tilespmem:s7], [sflag:$0xC], $0x2800, $0x38;
	[tilespmem:$0x14400] =	vst v63  }
0x126: {  	_ =	swait.ge @!p5 [sflag:s0], $0x2800  }
0x127: {  	s21 =	sadd.s32 @!p5 $0x480, s15;
	[sflag:s0] =	ssyncset.done @!p5 $0x0  }
0x128: {  	s4 =	simm.s32 @!p5 $0xA100;
	[sflag:s0] =	ssyncadd.s32 @!p5 $0xFFFFD800;
	s0 =	simm.s32 @!p5 $0x1  }
0x129: {  	[tilespmem:s4], [sflag:$0x3] =	stream.indirect.gather @!p5 [spmem:s14], $0x80, s21, s5, $0xb8;
	[tilespmem:$0x14400] =	vst v63  }
0x12a: {  	s2 =	sadd.s32 $0x780, s2;
	_ =	swait.ge @!p5 [sflag:s0], $0x2800  }
0x12b: {  	p4 =	sne.s32 s2, $0x12C00;
	[sflag:s0] =	ssyncset.done @!p5 $0x0  }
0x12c: {  	s4 =	simm.s32 @!p5 $0x5100;
	[sflag:s0] =	ssyncadd.s32 @!p5 $0xFFFFD800;
	s0 =	simm.s32 @!p5 $0xA  }
0x12d: {  	[hbm4b:s24+s6] =	stream.linear.scatter @!p5 [tilespmem:s4], [sflag:$0x7], $0x2800, $0x38;
	[tilespmem:$0x14400] =	vst v63  }
0x12e: {  	s20 =	sadd.s32 $0x1E00, s20;
	s13 =	sadd.s32 $0x1E00, s13;
	_ =	swait.ge @!p5 [sflag:s0], $0x2800  }
0x12f: {  	s18 =	sadd.s32 @!p5 $0x4D0, s15;
	s5 =	simm.s32 @!p5 $0x50;
	[sflag:s0] =	ssyncset.done @!p5 $0x0  }
0x130: {  	s4 =	simm.s32 @!p5 $0xC900;
	[sflag:s0] =	ssyncadd.s32 @!p5 $0xFFFFD800;
	s0 =	simm.s32 @!p5 $0x2  }
0x131: {  	[tilespmem:s4], [sflag:$0x4] =	stream.indirect.gather @!p5 [spmem:s16], $0x80, s18, s5, $0xb8;
	[tilespmem:$0x14400] =	vst v63  }
0x132: {  	s15 =	sadd.s32 @!p5 $0x520, s15;
	s26 =	simm.s32 $0xC900;
	_ =	swait.ge @!p5 [sflag:s0], $0x2800  }
0x133: {  	s19 =	sadd.s32 $0x1E0, s19;
	s11 =	smov.u32 s10;
	[sflag:s0] =	ssyncset.done @!p5 $0x0  }
0x134: {  	s10 =	simm.s32 $0x4;
	[sflag:s0] =	ssyncadd.s32 @!p5 $0xFFFFD800;
	s0 =	simm.s32 @!p5 $0xB  }
0x135: {  	[hbm4b:s29+s6] =	stream.linear.scatter @!p5 [tilespmem:s3], [sflag:$0x8], $0x2800, $0x38;
	[tilespmem:$0x14400] =	vst v63  }
0x136: {  	s9 =	simm.s32 $0x50;
	s22 =	simm.s32 $0xA100;
	_ =	swait.ge @!p5 [sflag:s0], $0x2800  }
0x137: {  	s21 =	simm.s32 $0xC;
	s18 =	smov.u32 s14;
	[sflag:s0] =	ssyncset.done @!p5 $0x0  }
0x138: {  	s3 =	simm.s32 @!p5 $0xF100;
	[sflag:s0] =	ssyncadd.s32 @!p5 $0xFFFFD800;
	s0 =	simm.s32 @!p5 $0x3  }
0x139: {  	[tilespmem:s3], [sflag:$0x5] =	stream.indirect.gather @!p5 [spmem:s14], $0x80, s15, s5, $0xb8;
	[tilespmem:$0x14400] =	vst v63  }
0x13a: {  	s14 =	rddreg [dreg:$0x8];
	s3 =	smov.u32 s11;
	_ =	swait.ge @!p5 [sflag:s0], $0x2800  }
0x13b: {  	s24 =	simm.s32 $0xF100;
	s3 =	smov.u32 @p5 s14;
	[sflag:s0] =	ssyncset.done @!p5 $0x0  }
0x13c: {  	s15 =	simm.s32 $0x0;
	s3 =	sadd.s32 s3, s1;
	[sflag:s0] =	ssyncadd.s32 @!p5 $0xFFFFD800  }
0x13d: {  	[hbm4b:s3+s15] =	stream.linear.scatter [tilespmem:s22], [sflag:$0x9], $0x2800, $0x38;
	[tilespmem:$0x14400] =	vst v63  }
.Ltmp3:
0x13e: {  	s29 =	simm.s32 $0x11900;
	s6 =	simm.s32 $0x200;
	(pc) =	sbr.rel @p4 .LBB3_7-.Ltmp3, $4  }
0x13f: {  	p5 =	slt.u32 s25, $0x13;
	s3 =	smov.u32 s28;
	_ =	swait.ge [sflag:s21], $0x2800  }
0x140: {  	s6 =	simm.s32 @!p5 $0x2980;
	s3 =	smov.u32 @p5 s16;
	s0 =	rddreg [dreg:$0x10]  }
0x141: {  	[sflag:s21] =	ssyncset.done $0x0;
	s23 =	rddreg [dreg:$0x13];
	s0 =	simm.s32 @!p5 $0xFFFFDC60  }
0x142: {  	[sflag:s21] =	ssyncadd.s32 $0xFFFFD800;
	s4 =	sshra.s32 s23, $0x2;
	s5 =	sadd.s32 s0, s6  }
0x143: {  	s0 =	sadd.s32 s4, s5  }
0x144: {  	[tilespmem:s29], [sflag:$0x6] =	stream.indirect.gather [spmem:s3], $0x80, s0, s9, $0xb8;
	[tilespmem:$0x14400] =	vst v63  }
0x145: {  	_ =	swait.ge [sflag:s10], $0x2800  }
0x146: {  	s23 =	simm.s32 $0xC900;
	[sflag:s10] =	ssyncset.done $0x0  }
0x147: {  	s21 =	simm.s32 $0x7;
	s8 =	rddreg [dreg:$0x1c];
	[sflag:s10] =	ssyncadd.s32 $0xFFFFD800  }
0x148: {  	[hbm4b:s8+s15] =	stream.linear.scatter [tilespmem:s23], [sflag:$0xA], $0x2800, $0x38;
	[tilespmem:$0x14400] =	vst v63  }
0x149: {  	_ =	swait.ge [sflag:s21], $0x2800  }
0x14a: {  	s12 =	simm.s32 $0x5100;
	[sflag:s21] =	ssyncset.done $0x0  }
0x14b: {  	s13 =	simm.s32 $0x5;
	s10 =	simm.s32 $0x4F50;
	[sflag:s21] =	ssyncadd.s32 $0xFFFFD800  }
0x14c: {  	[tilespmem:s12], [sflag:$0x1] =	stream.indirect.gather [spmem:s30], $0x80, s10, s9, $0xb8;
	[tilespmem:$0x14400] =	vst v63  }
0x14d: {  	_ =	swait.ge [sflag:s13], $0x2800  }
0x14e: {  	[sflag:s13] =	ssyncset.done $0x0  }
0x14f: {  	s6 =	simm.s32 $0x8;
	s19 =	rddreg [dreg:$0x1d];
	[sflag:s13] =	ssyncadd.s32 $0xFFFFD800  }
0x150: {  	[hbm4b:s19+s15] =	stream.linear.scatter [tilespmem:s24], [sflag:$0xB], $0x2800, $0x38;
	[tilespmem:$0x14400] =	vst v63  }
0x151: {  	_ =	swait.ge [sflag:s6], $0x2800  }
0x152: {  	s20 =	simm.s32 $0x4FA0;
	[sflag:s6] =	ssyncset.done $0x0  }
0x153: {  	s25 =	simm.s32 $0x6;
	s13 =	simm.s32 $0x7900;
	[sflag:s6] =	ssyncadd.s32 $0xFFFFD800  }
0x154: {  	[tilespmem:s13], [sflag:$0x2] =	stream.indirect.gather [spmem:s28], $0x80, s20, s9, $0xb8;
	[tilespmem:$0x14400] =	vst v63  }
0x155: {  	_ =	swait.ge [sflag:s25], $0x2800  }
0x156: {  	[sflag:s25] =	ssyncset.done $0x0  }
0x157: {  	s26 =	rddreg [dreg:$0x1e];
	[sflag:s25] =	ssyncadd.s32 $0xFFFFD800;
	s25 =	simm.s32 $0x9  }
0x158: {  	[hbm4b:s26+s15] =	stream.linear.scatter [tilespmem:s29], [sflag:$0xC], $0x2800, $0x38;
	[tilespmem:$0x14400] =	vst v63  }
0x159: {  	_ =	swait.ge [sflag:s25], $0x2800  }
0x15a: {  	[sflag:s25] =	ssyncset.done $0x0  }
0x15b: {  	s1 =	simm.s32 $0x4FF0;
	s19 =	simm.s32 $0x1;
	[sflag:s25] =	ssyncadd.s32 $0xFFFFD800  }
0x15c: {  	[tilespmem:s22], [sflag:$0x3] =	stream.indirect.gather [spmem:s30], $0x80, s1, s9, $0xb8;
	[tilespmem:$0x14400] =	vst v63  }
0x15d: {  	_ =	swait.ge [sflag:s19], $0x2800  }
0x15e: {  	[sflag:s19] =	ssyncset.done $0x0  }
0x15f: {  	s3 =	simm.s32 $0xA;
	s2 =	rddreg [dreg:$0x1f];
	[sflag:s19] =	ssyncadd.s32 $0xFFFFD800  }
0x160: {  	[hbm4b:s2+s15] =	stream.linear.scatter [tilespmem:s12], [sflag:$0x7], $0x2800, $0x38;
	[tilespmem:$0x14400] =	vst v63  }
0x161: {  	_ =	swait.ge [sflag:s3], $0x2800  }
0x162: {  	[sflag:s3] =	ssyncset.done $0x0  }
0x163: {  	s4 =	simm.s32 $0x5040;
	s20 =	simm.s32 $0x2;
	[sflag:s3] =	ssyncadd.s32 $0xFFFFD800  }
0x164: {  	[tilespmem:s23], [sflag:$0x4] =	stream.indirect.gather [spmem:s28], $0x80, s4, s9, $0xb8;
	[tilespmem:$0x14400] =	vst v63  }
0x165: {  	_ =	swait.ge [sflag:s20], $0x2800  }
0x166: {  	s5 =	sld [smem:$0x7F4]  }
0x167: {  	[sflag:s20] =	ssyncset.done $0x0  }
0x168: {  	s7 =	simm.s32 $0xB;
	[sflag:s20] =	ssyncadd.s32 $0xFFFFD800  }
0x169: {  	[hbm4b:s5+s15] =	stream.linear.scatter [tilespmem:s13], [sflag:$0x8], $0x2800, $0x38;
	[tilespmem:$0x14400] =	vst v63  }
0x16a: {  	_ =	swait.ge [sflag:s7], $0x2800  }
0x16b: {  	[sflag:s7] =	ssyncset.done $0x0  }
0x16c: {  	s0 =	simm.s32 @p0 $0x3;
	[sflag:s7] =	ssyncadd.s32 $0xFFFFD800  }
0x16d: {  	_ =	swait.ge @p0 [sflag:s0], $0x2800  }
0x16e: {  	s1 =	sld [smem:$0x7F5]  }
0x16f: {  	[sflag:s0] =	ssyncset.done @p0 $0x0  }
0x170: {  	s2 =	simm.s32 @p0 $0xA100;
	[sflag:s0] =	ssyncadd.s32 @p0 $0xFFFFD800;
	s0 =	simm.s32 @p0 $0x0  }
0x171: {  	[hbm4b:s1+s0] =	stream.linear.scatter @p0 [tilespmem:s2], [sflag:$0x9], $0x2800, $0x38;
	[tilespmem:$0x14400] =	vst v63  }
0x172: {  	s0 =	simm.s32 @p0 $0xC  }
0x173: {  	_ =	swait.ge @p0 [sflag:s0], $0x2800  }
0x174: {  	[sflag:s0] =	ssyncset.done @p0 $0x0  }
0x175: {  	s4 =	simm.s32 @!p0 $0x3;
	s5 =	simm.s32 @!p0 $0xF100;
	[sflag:s0] =	ssyncadd.s32 @p0 $0xFFFFD800  }
0x176: {  	s2 =	simm.s32 @!p0 $0x0;
	s0 =	simm.s32 @!p0 $0x50;
	s10 =	rddreg [dreg:$0x9]  }
0x177: {  	[tilespmem:s5], [sflag:$0x5] =	stream.indirect.gather @!p0 [spmem:s10], $0x80, s2, s0, $0xb8;
	[tilespmem:$0x14400] =	vst v63  }
0x178: {  	_ =	swait.ge @!p0 [sflag:s4], $0x2800  }
0x179: {  	[sflag:s4] =	ssyncset.done @!p0 $0x0  }
0x17a: {  	s26 =	simm.s32 @!p0 $0xA100;
	s3 =	simm.s32 @!p0 $0xC;
	[sflag:s4] =	ssyncadd.s32 @!p0 $0xFFFFD800  }
0x17b: {  	[hbm4b:s1+s2] =	stream.linear.scatter @!p0 [tilespmem:s26], [sflag:$0x9], $0x2800, $0x38;
	[tilespmem:$0x14400] =	vst v63  }
0x17c: {  	_ =	swait.ge @!p0 [sflag:s3], $0x2800  }
0x17d: {  	[sflag:s3] =	ssyncset.done @!p0 $0x0  }
0x17e: {  	s8 =	simm.s32 $0x4;
	s7 =	simm.s32 @!p0 $0x11900;
	[sflag:s3] =	ssyncadd.s32 @!p0 $0xFFFFD800  }
0x17f: {  	[tilespmem:s7], [sflag:$0x6] =	stream.indirect.gather @!p0 [spmem:s10], $0x80, s0, s0, $0xb8;
	[tilespmem:$0x14400] =	vst v63  }
0x180: {  	_ =	swait.ge [sflag:s8], $0x2800  }
0x181: {  	[sflag:s8] =	ssyncset.done $0x0  }
0x182: {  	[sflag:s8] =	ssyncadd.s32 $0xFFFFD800;
	s8 =	sld [smem:$0x7F6];
	_ =	sdelay $0x2  }
0x183: {  	[hbm4b:s8+s15] =	stream.linear.scatter [tilespmem:s23], [sflag:$0xA], $0x2800, $0x38;
	[tilespmem:$0x14400] =	vst v63  }
0x184: {  	_ =	swait.ge [sflag:s21], $0x2800  }
0x185: {  	[sflag:s21] =	ssyncset.done $0x0  }
0x186: {  	s8 =	simm.s32 @!p0 $0xA0;
	[sflag:s21] =	ssyncadd.s32 $0xFFFFD800;
	s21 =	simm.s32 @!p0 $0x5100  }
0x187: {  	[tilespmem:s21], [sflag:$0x1] =	stream.indirect.gather @!p0 [spmem:s10], $0x80, s8, s0, $0xb8;
	[tilespmem:$0x14400] =	vst v63  }
0x188: {  	s8 =	simm.s32 @!p0 $0x5  }
0x189: {  	_ =	swait.ge @!p0 [sflag:s8], $0x2800  }
0x18a: {  	[sflag:s8] =	ssyncset.done @!p0 $0x0  }
0x18b: {  	s1 =	rddreg [dreg:$0x18];
	[sflag:s8] =	ssyncadd.s32 @!p0 $0xFFFFD800  }
0x18c: {  	[hbm4b:s1+s2] =	stream.linear.scatter @!p0 [tilespmem:s5], [sflag:$0xB], $0x2800, $0x38;
	[tilespmem:$0x14400] =	vst v63  }
0x18d: {  	s5 =	simm.s32 @!p0 $0x8  }
0x18e: {  	_ =	swait.ge @!p0 [sflag:s5], $0x2800  }
0x18f: {  	[sflag:s5] =	ssyncset.done @!p0 $0x0  }
0x190: {  	s8 =	simm.s32 @!p0 $0x7900;
	[sflag:s5] =	ssyncadd.s32 @!p0 $0xFFFFD800;
	s5 =	simm.s32 @!p0 $0xF0  }
0x191: {  	[tilespmem:s8], [sflag:$0x2] =	stream.indirect.gather @!p0 [spmem:s10], $0x80, s5, s0, $0xb8;
	[tilespmem:$0x14400] =	vst v63  }
0x192: {  	s5 =	simm.s32 @!p0 $0x6  }
0x193: {  	_ =	swait.ge @!p0 [sflag:s5], $0x2800  }
0x194: {  	s1 =	sld [smem:$0x7F7]  }
0x195: {  	[sflag:s5] =	ssyncset.done @!p0 $0x0  }
0x196: {  	[sflag:s5] =	ssyncadd.s32 @!p0 $0xFFFFD800;
	s5 =	simm.s32 @!p0 $0x9  }
0x197: {  	[hbm4b:s1+s2] =	stream.linear.scatter @!p0 [tilespmem:s7], [sflag:$0xC], $0x2800, $0x38;
	[tilespmem:$0x14400] =	vst v63  }
0x198: {  	_ =	swait.ge @!p0 [sflag:s5], $0x2800  }
0x199: {  	[sflag:s5] =	ssyncset.done @!p0 $0x0  }
0x19a: {  	[sflag:s5] =	ssyncadd.s32 @!p0 $0xFFFFD800;
	s5 =	simm.s32 @!p0 $0x140  }
0x19b: {  	[tilespmem:s26], [sflag:$0x3] =	stream.indirect.gather @!p0 [spmem:s10], $0x80, s5, s0, $0xb8;
	[tilespmem:$0x14400] =	vst v63  }
0x19c: {  	s0 =	simm.s32 @!p0 $0x1  }
0x19d: {  	_ =	swait.ge @!p0 [sflag:s0], $0x2800  }
0x19e: {  	[sflag:s0] =	ssyncset.done @!p0 $0x0  }
0x19f: {  	[sflag:s0] =	ssyncadd.s32 @!p0 $0xFFFFD800;
	s0 =	sld [smem:$0x7F8];
	_ =	sdelay $0x2  }
0x1a0: {  	[hbm4b:s0+s2] =	stream.linear.scatter @!p0 [tilespmem:s21], [sflag:$0x7], $0x2800, $0x38;
	[tilespmem:$0x14400] =	vst v63  }
0x1a1: {  	s0 =	simm.s32 @!p0 $0xA  }
0x1a2: {  	_ =	swait.ge @!p0 [sflag:s0], $0x2800  }
0x1a3: {  	[sflag:s0] =	ssyncset.done @!p0 $0x0  }
0x1a4: {  	[sflag:s0] =	ssyncadd.s32 @!p0 $0xFFFFD800;
	s0 =	simm.s32 @!p0 $0x2  }
0x1a5: {  	_ =	swait.ge @!p0 [sflag:s0], $0x2800  }
0x1a6: {  	[sflag:s0] =	ssyncset.done @!p0 $0x0  }
0x1a7: {  	[sflag:s0] =	ssyncadd.s32 @!p0 $0xFFFFD800;
	s0 =	sld [smem:$0x7F9];
	_ =	sdelay $0x2  }
0x1a8: {  	[hbm4b:s0+s2] =	stream.linear.scatter @!p0 [tilespmem:s8], [sflag:$0x8], $0x2800, $0x38;
	[tilespmem:$0x14400] =	vst v63  }
0x1a9: {  	s0 =	simm.s32 @!p0 $0xB  }
0x1aa: {  	_ =	swait.ge @!p0 [sflag:s0], $0x2800  }
0x1ab: {  	[sflag:s0] =	ssyncset.done @!p0 $0x0  }
0x1ac: {  	[sflag:s0] =	ssyncadd.s32 @!p0 $0xFFFFD800  }
0x1ad: {  	_ =	swait.ge @!p0 [sflag:s4], $0x2800  }
0x1ae: {  	s0 =	sld [smem:$0x7FA]  }
0x1af: {  	[sflag:s4] =	ssyncset.done @!p0 $0x0  }
0x1b0: {  	[sflag:s4] =	ssyncadd.s32 @!p0 $0xFFFFD800  }
0x1b1: {  	[hbm4b:s0+s2] =	stream.linear.scatter @!p0 [tilespmem:s26], [sflag:$0x9], $0x2800, $0x38;
	[tilespmem:$0x14400] =	vst v63  }
0x1b2: {  	_ =	swait.ge @!p0 [sflag:s3], $0x2800  }
0x1b3: {  	[sflag:s3] =	ssyncset.done @!p0 $0x0  }
0x1b4: {  	s0 =	simm.s32 @!p0 $0x7;
	[sflag:s3] =	ssyncadd.s32 @!p0 $0xFFFFD800  }
0x1b5: {  	_ =	swait.ge @!p0 [sflag:s0], $0x2800  }
0x1b6: {  	[sflag:s0] =	ssyncset.done @!p0 $0x0  }
0x1b7: {  	[sflag:s0] =	ssyncadd.s32 @!p0 $0xFFFFD800  }
0x1b8: {  	_ =	swait.ge [sflag:s6], $0x2800  }
0x1b9: {  	[sflag:s6] =	ssyncset.done $0x0  }
0x1ba: {  	[sflag:s6] =	ssyncadd.s32 $0xFFFFD800  }
0x1bb: {  	_ =	swait.ge [sflag:s25], $0x2800  }
0x1bc: {  	[sflag:s25] =	ssyncset.done $0x0  }
0x1bd: {  	s0 =	simm.s32 @!p1 $0xA;
	[sflag:s25] =	ssyncadd.s32 $0xFFFFD800  }
0x1be: {  	_ =	swait.ge @!p1 [sflag:s0], $0x2800  }
0x1bf: {  	s25 =	sld [smem:$0x7F3]  }
0x1c0: {  	s26 =	sld [smem:$0x7FB];
	_ =	sdelay $0x1  }
0x1c1: {  	s2 =	sadd.s32 $0x1, s25  }
0x1c2: {  	p4 =	sne.s32 s2, s26  }
.Ltmp4:
0x1c3: {  	_ = 	snop;
	(pc) =	sbr.rel @p4 .LBB3_1-.Ltmp4, $3  }
0x1c4: {  	_ =	sdelay $0x1  }
0x1c5: {  	s10 =	simm.s32 $0x4;
	s5 =	simm.s32 $0x7;
	[sflag:s0] =	ssyncset.done @!p1 $0x0  }
0x1c6: {  	s3 =	simm.s32 $0xF;
	s21 =	rddreg [dreg:$0x11];
	[sflag:s0] =	ssyncadd.s32 @!p1 $0xFFFFD800  }
0x1c7: {  	_ =	sfence.sel $0x180000  }
0x1c8: {  	[bflag:$0x0] =	sbarrier.arrive $0xFFFF  }
0x1c9: {  	_ =	strace $0x90000047  }
0x1ca: {  	[bflag:$0x2] =	sbarrier.arrive $0xFFFF  }
0x1cb: {  	s0 =	rddreg [dreg:$0x14]  }
0x1cc: {  	s0 =	sadd.s32 @!p2 $0x100000, s0  }
0x1cd: {  	[sflag:s0] =	ssyncadd.tile.s32 @!p2 $0x1;
	_ =	shalt  }
.Lfunc_end3:
_tile_overlayer_lowered:
.L_overlay_start_3:
0x1ce: {  	(tag) =	ssettag $0x3  }
0x1cf: {  	s0 =	rddreg [dreg:$0x0];
	s2 =	stileid.u32  }
0x1d0: {  	s1 =	rddreg [dreg:$0x1];
	p0 =	sne.s32 s2, $0x0  }
0x1d1: {  	s3 =	rddreg [dreg:$0x2];
	[bflag:$0x3] =	sbarrier.arrive $0xFFFF;
	s2 =	simm.s32 @!p0 $0x1C0F  }
0x1d2: {  	[timem:s3], [sflag:s2] =	dma.local @!p0 [hbm:s0], s1  }
0x1d3: {  	s0 =	simm.s32 @!p0 $0xF  }
0x1d4: {  	_ =	swait.ge @!p0 [sflag:s0], s1  }
0x1d5: {  	s1 =	ssub.s32 @!p0 $0x0, s1;
	[sflag:s0] =	ssyncset.done @!p0 $0x0  }
0x1d6: {  	[sflag:s0] =	ssyncadd.s32 @!p0 s1  }
0x1d7: {  	[bflag:$0x3] =	sbarrier.arrive $0xFFFF  }
0x1d8: {  	_ =	shalt  }

</sc_bundles>
